<compile_context>
chip_gen: v7x
topology: tpu7x:2x2x1
jax: 0.10.2.dev20260603
libtpu: 0.0.44.dev20260713+nightly
codegen_flags: <defaults>
</compile_context>

<pallas_src>
import functools

import jax
import jax.numpy as jnp
from jax import lax
from jax.experimental import pallas as pl
from jax.experimental.pallas import tpu as pltpu
from jax.experimental.pallas import tpu_sc as plsc

F = 16
EC = 1000
NC = 2
NS = 16
NW = NC * NS


@functools.lru_cache(maxsize=None)
def _make_seg_kernel(n: int, ch0: int, ch1: int, acc_rows: int):
    zrows = acc_rows // NS
    orows = -(-(n // NS) // 8) * 8
    olast = n - (NS - 1) * orows
    assert olast > 0 and olast % 8 == 0 and zrows % 8 == 0
    mesh = plsc.VectorSubcoreMesh(core_axis_name="c", subcore_axis_name="s")

    def body(x_hbm, src_hbm, dst_hbm, init_hbm, out_hbm,
             src_v, dst_v, rows_v, acc_sh, gsem):
        c = lax.axis_index("c")
        s = lax.axis_index("s")
        pltpu.sync_copy(init_hbm,
                        acc_sh.at[pl.ds(pl.multiple_of(s * zrows, 8), zrows)])
        plsc.subcore_barrier()

        nch = jnp.where(c == 0, ch0, ch1)
        sc_base = c * (ch0 * NS * EC)

        def chunk(i, carry):
            base = sc_base + (s * nch + i) * EC
            pltpu.sync_copy(src_hbm.at[pl.ds(base, EC)], src_v)
            pltpu.sync_copy(dst_hbm.at[pl.ds(base, EC)], dst_v)
            pltpu.async_copy(x_hbm.at[src_v], rows_v, gsem).wait()
            pltpu.sync_copy(rows_v, acc_sh.at[dst_v], add=True)
            return carry

        lax.fori_loop(0, nch, chunk, 0)
        plsc.subcore_barrier()
        obase = pl.multiple_of(c * n + s * orows, 8)

        @pl.when(s < NS - 1)
        def _copy_full():
            pltpu.sync_copy(acc_sh.at[pl.ds(pl.multiple_of(s * orows, 8), orows)],
                            out_hbm.at[pl.ds(obase, orows)])

        @pl.when(s == NS - 1)
        def _copy_last():
            pltpu.sync_copy(acc_sh.at[pl.ds((NS - 1) * orows, olast)],
                            out_hbm.at[pl.ds(obase, olast)])

    return pl.kernel(
        body,
        out_type=jax.ShapeDtypeStruct((NC * n, F), jnp.float32),
        mesh=mesh,
        scratch_types=[
            pltpu.VMEM((EC,), jnp.int32),
            pltpu.VMEM((EC,), jnp.int32),
            pltpu.VMEM((EC, F), jnp.float32),
            pltpu.VMEM_SHARED((acc_rows, F), jnp.float32),
            pltpu.SemaphoreType.DMA,
        ],
        compiler_params=pltpu.CompilerParams(use_tc_tiling_on_sc=False),
    )


def _fused_mlp(partials, W0, b0, W1, n, br=1000):
    mid = W0.shape[1]
    grid = n // br

    def mm_body(p0_ref, p1_ref, w0_ref, b0_ref, w1_ref, o_ref):
        agg = p0_ref[...] + p1_ref[...]
        h = jnp.dot(agg, w0_ref[...], preferred_element_type=jnp.float32)
        h = jnp.maximum(h + b0_ref[...], 0.0)
        o_ref[...] = jnp.dot(h, w1_ref[...], preferred_element_type=jnp.float32)

    return pl.pallas_call(
        mm_body,
        grid=(grid,),
        in_specs=[
            pl.BlockSpec((br, F), lambda i: (i, 0)),
            pl.BlockSpec((br, F), lambda i: (i + grid, 0)),
            pl.BlockSpec((F, mid), lambda i: (0, 0)),
            pl.BlockSpec((1, mid), lambda i: (0, 0)),
            pl.BlockSpec((mid, F), lambda i: (0, 0)),
        ],
        out_specs=pl.BlockSpec((br, F), lambda i: (i, 0)),
        out_shape=jax.ShapeDtypeStruct((n, F), jnp.float32),
    )(partials, partials, W0, b0.reshape(1, mid), W1)


def _combine(partials, b1, n, br=2000):
    grid = n // br

    def body(p0_ref, p1_ref, b_ref, o_ref):
        o_ref[...] = p0_ref[...] + p1_ref[...] + b_ref[...]

    return pl.pallas_call(
        body,
        grid=(grid,),
        in_specs=[
            pl.BlockSpec((br, F), lambda i: (i, 0)),
            pl.BlockSpec((br, F), lambda i: (i + grid, 0)),
            pl.BlockSpec((1, F), lambda i: (0, 0)),
        ],
        out_specs=pl.BlockSpec((br, F), lambda i: (i, 0)),
        out_shape=jax.ShapeDtypeStruct((n, F), jnp.float32),
    )(partials, partials, b1.reshape(1, F))


def kernel(input, edge_index, W0, b0, W1, b1):
    n, f = input.shape
    assert f == F and n % 8 == 0
    e = edge_index.shape[1]
    per = NS * EC
    tot = -(-e // per)
    ch0 = tot // 2
    spread = 96
    ch1 = tot - ch0
    e_pad = tot * per
    pad = e_pad - e
    if pad:
        src = jnp.concatenate([edge_index[0], jnp.zeros((pad,), jnp.int32)])
        dst = jnp.concatenate(
            [edge_index[1], n + (jnp.arange(pad, dtype=jnp.int32) % spread)])
    else:
        src = edge_index[0]
        dst = edge_index[1]
    acc_rows = -(-(n + 1) // (NS * 8)) * NS * 8
    zrows = acc_rows // NS

    seg = _make_seg_kernel(n, ch0, ch1, acc_rows)
    zeros = jnp.zeros((zrows, F), jnp.float32)
    p0 = seg(input, src, dst, zeros)
    h2 = _fused_mlp(p0, W0, b0, W1, n)
    p1 = seg(h2, src, dst, zeros)
    return _combine(p1, b1, n)

# --- scband reference (transcript-rebuilt; emitter-appended) ---
"""Pipeline reference for scband-model-13812614824123 (READ-ONLY COPY).

The authoritative reference and input builder live on the scoring server;
editing this copy changes nothing except your own understanding.
"""

import jax, jax.numpy as jnp
import numpy as np

N = 100000
E = 3200000
PAST = 14
FUT = 16
IN0 = 2 + PAST  # 16
MID = 1000


def setup_inputs(seed: int = 0) -> dict:
    key = jax.random.key(seed)
    ks = jax.random.split(key, 6)
    x = jax.random.normal(ks[0], (N, IN0), dtype=jnp.float32)
    edge_index = jax.random.randint(ks[1], (2, E), 0, N, dtype=jnp.int32)
    # DGL GraphConv params: weight (in, out), bias (out,)
    W0 = jax.random.normal(ks[2], (IN0, MID), dtype=jnp.float32) * (1.0 / np.sqrt(IN0))
    b0 = jnp.zeros((MID,), dtype=jnp.float32)
    W1 = jax.random.normal(ks[3], (MID, FUT), dtype=jnp.float32) * (1.0 / np.sqrt(MID))
    b1 = jnp.zeros((FUT,), dtype=jnp.float32)
    return {"input": x, "edge_index": edge_index, "W0": W0, "b0": b0, "W1": W1, "b1": b1}


def reference(input, edge_index, W0, b0, W1, b1):
    # Model with conv_layers=2: two DGL GraphConv layers, norm='none'.
    # Layer index i%4==3 never occurs with 2 layers, so graph is never reversed.
    src = edge_index[0]
    dst = edge_index[1]
    n = input.shape[0]
    # Layer 0: in_feats (16) <= out_feats (1000) -> aggregate (copy_u, sum) then matmul (DGL ordering)
    agg0 = jax.ops.segment_sum(jnp.take(input, src, axis=0), dst, num_segments=n)
    h = jax.nn.relu(agg0 @ W0 + b0)
    # Layer 1: in_feats (1000) > out_feats (16) -> matmul first then aggregate (DGL ordering)
    h2 = h @ W1
    agg1 = jax.ops.segment_sum(jnp.take(h2, src, axis=0), dst, num_segments=n)
    out = agg1 + b1
    return out

if __name__ == "__main__":
    import jax
    _d = setup_inputs()
    print(jax.jit(kernel)(*tuple(_d.values())))

</pallas_src>

<mosaic_0001>
#map = affine_map<(d0, d1) -> (0, 0)>
#map1 = affine_map<(d0, d1) -> (0)>
module attributes {stable_mosaic.version = 14 : i64} {
  func.func @body(%arg0: i32, %arg1: i32, %arg2: memref<100000x16xf32, #tpu.memory_space<hbm>>, %arg3: memref<3200000xi32, #tpu.memory_space<hbm>>, %arg4: memref<3200000xi32, #tpu.memory_space<hbm>>, %arg5: memref<6256x16xf32, #tpu.memory_space<hbm>>, %arg6: memref<200000x16xf32, #tpu.memory_space<hbm>>, %arg7: memref<1000xi32, #tpu.memory_space<vmem>>, %arg8: memref<1000xi32, #tpu.memory_space<vmem>>, %arg9: memref<1000x16xf32, #tpu.memory_space<vmem>>, %arg10: memref<100096x16xf32, #tpu.memory_space<vmem_shared>>, %arg11: memref<!tpu.dma_semaphore, #tpu.memory_space<semaphore_mem>>) attributes {dimension_semantics = [#tpu.dimension_semantics<core_parallel>, #tpu.dimension_semantics<subcore_parallel>], iteration_bounds = array<i64: 2, 16>, scalar_prefetch = 0 : i64, scratch_operands = 5 : i64, tpu.core_type = #tpu.core_type<sc_vector_subcore>, window_params = [{transform_indices = #map}, {transform_indices = #map1}, {transform_indices = #map1}, {transform_indices = #map}, {transform_indices = #map}]} {
    %mul3A = arith.constant 6256 : i32
    %mul3A_0 = arith.muli %arg1, %mul3A : i32
    %multiple_of3A = tpu.assume_multiple %mul3A_0, 8 : i32
    "tpu.region"() ({
      %run_scoped3A = tpu.sem_alloc : memref<!tpu.dma_semaphore, #tpu.memory_space<semaphore_mem>>
      %dma_start3A = arith.constant 0 : i32
      %dma_start3A_27 = tpu.memref_slice %arg10[%multiple_of3A, %dma_start3A] : memref<100096x16xf32, #tpu.memory_space<vmem_shared>> -> memref<6256x16xf32, #tpu.memory_space<vmem_shared>>
      tpu.enqueue_dma source(%arg5 : memref<6256x16xf32, #tpu.memory_space<hbm>>) target(%dma_start3A_27 : memref<6256x16xf32, #tpu.memory_space<vmem_shared>>) target_semaphore(%run_scoped3A : memref<!tpu.dma_semaphore, #tpu.memory_space<semaphore_mem>>)
      %dma_wait3A = arith.constant 0 : i32
      %dma_wait3A_28 = tpu.memref_slice %arg10[%multiple_of3A, %dma_wait3A] : memref<100096x16xf32, #tpu.memory_space<vmem_shared>> -> memref<6256x16xf32, #tpu.memory_space<vmem_shared>>
      tpu.wait_dma2 semaphore(%run_scoped3A : memref<!tpu.dma_semaphore, #tpu.memory_space<semaphore_mem>>) src(%arg5 : memref<6256x16xf32, #tpu.memory_space<hbm>>) dst(%dma_wait3A_28 : memref<6256x16xf32, #tpu.memory_space<vmem_shared>>)
      tpu.yield
    }) : () -> ()
    %barrier3A = arith.constant 0 : index
    tpu.barrier barrier_id(%barrier3A)
    %eq3A = arith.constant 0 : i32
    %eq3A_1 = arith.cmpi eq, %arg0, %eq3A : i32
    %jit3A = arith.constant 100 : i32
    %jit3A_2 = arith.constant 100 : i32
    %select_n3A = arith.select %eq3A_1, %jit3A, %jit3A_2 : i32
    %mul3A_3 = arith.constant 1600000 : i32
    %mul3A_4 = arith.muli %arg0, %mul3A_3 : i32
    %while3A = arith.constant 0 : i32
    %while3A_5 = arith.constant 0 : i32
    %while3A_6 = arith.subi %select_n3A, %while3A_5 : i32
    %while3A_7 = arith.addi %while3A_5, %while3A_6 : i32
    %while3A_8 = arith.constant 1 : i32
    %while3A_9 = arith.divsi %while3A_6, %while3A_8 : i32
    %while3A_10 = arith.muli %while3A_9, %while3A_8 : i32
    %while3A_11 = arith.addi %while3A_5, %while3A_10 : i32
    %while3A_12 = arith.constant 1 : i32
    scf.for %while3A_27 = %while3A_5 to %while3A_11 step %while3A_12  : i32 {
      %mul3A_28 = arith.muli %arg1, %select_n3A : i32
      %add3A_29 = arith.addi %mul3A_28, %while3A_27 : i32
      %mul3A_30 = arith.constant 1000 : i32
      %mul3A_31 = arith.muli %add3A_29, %mul3A_30 : i32
      %add3A_32 = arith.addi %mul3A_4, %mul3A_31 : i32
      "tpu.region"() ({
        %run_scoped3A = tpu.sem_alloc : memref<!tpu.dma_semaphore, #tpu.memory_space<semaphore_mem>>
        %dma_start3A_37 = tpu.memref_slice %arg3[%add3A_32] : memref<3200000xi32, #tpu.memory_space<hbm>> -> memref<1000xi32, #tpu.memory_space<hbm>>
        %dma_start3A_38 = tpu.memref_slice %arg3[%add3A_32] : memref<3200000xi32, #tpu.memory_space<hbm>> -> memref<1000xi32, #tpu.memory_space<hbm>>
        tpu.enqueue_dma source(%dma_start3A_38 : memref<1000xi32, #tpu.memory_space<hbm>>) target(%arg7 : memref<1000xi32, #tpu.memory_space<vmem>>) target_semaphore(%run_scoped3A : memref<!tpu.dma_semaphore, #tpu.memory_space<semaphore_mem>>)
        %dma_wait3A_39 = tpu.memref_slice %arg3[%add3A_32] : memref<3200000xi32, #tpu.memory_space<hbm>> -> memref<1000xi32, #tpu.memory_space<hbm>>
        %dma_wait3A_40 = tpu.memref_slice %arg3[%add3A_32] : memref<3200000xi32, #tpu.memory_space<hbm>> -> memref<1000xi32, #tpu.memory_space<hbm>>
        tpu.wait_dma2 semaphore(%run_scoped3A : memref<!tpu.dma_semaphore, #tpu.memory_space<semaphore_mem>>) src(%dma_wait3A_40 : memref<1000xi32, #tpu.memory_space<hbm>>) dst(%arg7 : memref<1000xi32, #tpu.memory_space<vmem>>)
        tpu.yield
      }) : () -> ()
      "tpu.region"() ({
        %run_scoped3A = tpu.sem_alloc : memref<!tpu.dma_semaphore, #tpu.memory_space<semaphore_mem>>
        %dma_start3A_37 = tpu.memref_slice %arg4[%add3A_32] : memref<3200000xi32, #tpu.memory_space<hbm>> -> memref<1000xi32, #tpu.memory_space<hbm>>
        %dma_start3A_38 = tpu.memref_slice %arg4[%add3A_32] : memref<3200000xi32, #tpu.memory_space<hbm>> -> memref<1000xi32, #tpu.memory_space<hbm>>
        tpu.enqueue_dma source(%dma_start3A_38 : memref<1000xi32, #tpu.memory_space<hbm>>) target(%arg8 : memref<1000xi32, #tpu.memory_space<vmem>>) target_semaphore(%run_scoped3A : memref<!tpu.dma_semaphore, #tpu.memory_space<semaphore_mem>>)
        %dma_wait3A_39 = tpu.memref_slice %arg4[%add3A_32] : memref<3200000xi32, #tpu.memory_space<hbm>> -> memref<1000xi32, #tpu.memory_space<hbm>>
        %dma_wait3A_40 = tpu.memref_slice %arg4[%add3A_32] : memref<3200000xi32, #tpu.memory_space<hbm>> -> memref<1000xi32, #tpu.memory_space<hbm>>
        tpu.wait_dma2 semaphore(%run_scoped3A : memref<!tpu.dma_semaphore, #tpu.memory_space<semaphore_mem>>) src(%dma_wait3A_40 : memref<1000xi32, #tpu.memory_space<hbm>>) dst(%arg8 : memref<1000xi32, #tpu.memory_space<vmem>>)
        tpu.yield
      }) : () -> ()
      %dma_start3A = arith.constant 0 : i32
      %dma_start3A_33 = arith.constant 0 : i32
      %dma_start3A_34 = tpu.memref_slice %arg2[%dma_start3A, %dma_start3A_33] : memref<100000x16xf32, #tpu.memory_space<hbm>> -> memref<100000x16xf32, #tpu.memory_space<hbm>>
      tpu.enqueue_indirect_dma source(%dma_start3A_34 : memref<100000x16xf32, #tpu.memory_space<hbm>>) target(%arg9 : memref<1000x16xf32, #tpu.memory_space<vmem>>) offsets(%arg7 : memref<1000xi32, #tpu.memory_space<vmem>>) semaphore(%arg11 : memref<!tpu.dma_semaphore, #tpu.memory_space<semaphore_mem>>)
      %dma_wait3A = arith.constant 0 : i32
      %dma_wait3A_35 = arith.constant 0 : i32
      %dma_wait3A_36 = tpu.memref_slice %arg2[%dma_wait3A, %dma_wait3A_35] : memref<100000x16xf32, #tpu.memory_space<hbm>> -> memref<100000x16xf32, #tpu.memory_space<hbm>>
      tpu.wait_indirect_dma semaphore(%arg11 : memref<!tpu.dma_semaphore, #tpu.memory_space<semaphore_mem>>) src(%dma_wait3A_36 : memref<100000x16xf32, #tpu.memory_space<hbm>>) dst(%arg9 : memref<1000x16xf32, #tpu.memory_space<vmem>>)
      "tpu.region"() ({
        %run_scoped3A = tpu.sem_alloc : memref<!tpu.dma_semaphore, #tpu.memory_space<semaphore_mem>>
        %dma_start3A_37 = arith.constant 0 : i32
        %dma_start3A_38 = arith.constant 0 : i32
        %dma_start3A_39 = tpu.memref_slice %arg10[%dma_start3A_37, %dma_start3A_38] : memref<100096x16xf32, #tpu.memory_space<vmem_shared>> -> memref<100096x16xf32, #tpu.memory_space<vmem_shared>>
        tpu.enqueue_indirect_dma source(%arg9 : memref<1000x16xf32, #tpu.memory_space<vmem>>) target(%dma_start3A_39 : memref<100096x16xf32, #tpu.memory_space<vmem_shared>>) offsets(%arg8 : memref<1000xi32, #tpu.memory_space<vmem>>) semaphore(%run_scoped3A : memref<!tpu.dma_semaphore, #tpu.memory_space<semaphore_mem>>) {add = true}
        %dma_wait3A_40 = arith.constant 0 : i32
        %dma_wait3A_41 = arith.constant 0 : i32
        %dma_wait3A_42 = tpu.memref_slice %arg10[%dma_wait3A_40, %dma_wait3A_41] : memref<100096x16xf32, #tpu.memory_space<vmem_shared>> -> memref<100096x16xf32, #tpu.memory_space<vmem_shared>>
        tpu.wait_indirect_dma semaphore(%run_scoped3A : memref<!tpu.dma_semaphore, #tpu.memory_space<semaphore_mem>>) src(%arg9 : memref<1000x16xf32, #tpu.memory_space<vmem>>) dst(%dma_wait3A_42 : memref<100096x16xf32, #tpu.memory_space<vmem_shared>>)
        tpu.yield
      }) : () -> ()
    }
    %while3A_13 = arith.constant 1 : i32
    scf.for %while3A_27 = %while3A_11 to %while3A_7 step %while3A_13  : i32 {
      %mul3A_28 = arith.muli %arg1, %select_n3A : i32
      %add3A_29 = arith.addi %mul3A_28, %while3A_27 : i32
      %mul3A_30 = arith.constant 1000 : i32
      %mul3A_31 = arith.muli %add3A_29, %mul3A_30 : i32
      %add3A_32 = arith.addi %mul3A_4, %mul3A_31 : i32
      "tpu.region"() ({
        %run_scoped3A = tpu.sem_alloc : memref<!tpu.dma_semaphore, #tpu.memory_space<semaphore_mem>>
        %dma_start3A_37 = tpu.memref_slice %arg3[%add3A_32] : memref<3200000xi32, #tpu.memory_space<hbm>> -> memref<1000xi32, #tpu.memory_space<hbm>>
        %dma_start3A_38 = tpu.memref_slice %arg3[%add3A_32] : memref<3200000xi32, #tpu.memory_space<hbm>> -> memref<1000xi32, #tpu.memory_space<hbm>>
        tpu.enqueue_dma source(%dma_start3A_38 : memref<1000xi32, #tpu.memory_space<hbm>>) target(%arg7 : memref<1000xi32, #tpu.memory_space<vmem>>) target_semaphore(%run_scoped3A : memref<!tpu.dma_semaphore, #tpu.memory_space<semaphore_mem>>)
        %dma_wait3A_39 = tpu.memref_slice %arg3[%add3A_32] : memref<3200000xi32, #tpu.memory_space<hbm>> -> memref<1000xi32, #tpu.memory_space<hbm>>
        %dma_wait3A_40 = tpu.memref_slice %arg3[%add3A_32] : memref<3200000xi32, #tpu.memory_space<hbm>> -> memref<1000xi32, #tpu.memory_space<hbm>>
        tpu.wait_dma2 semaphore(%run_scoped3A : memref<!tpu.dma_semaphore, #tpu.memory_space<semaphore_mem>>) src(%dma_wait3A_40 : memref<1000xi32, #tpu.memory_space<hbm>>) dst(%arg7 : memref<1000xi32, #tpu.memory_space<vmem>>)
        tpu.yield
      }) : () -> ()
      "tpu.region"() ({
        %run_scoped3A = tpu.sem_alloc : memref<!tpu.dma_semaphore, #tpu.memory_space<semaphore_mem>>
        %dma_start3A_37 = tpu.memref_slice %arg4[%add3A_32] : memref<3200000xi32, #tpu.memory_space<hbm>> -> memref<1000xi32, #tpu.memory_space<hbm>>
        %dma_start3A_38 = tpu.memref_slice %arg4[%add3A_32] : memref<3200000xi32, #tpu.memory_space<hbm>> -> memref<1000xi32, #tpu.memory_space<hbm>>
        tpu.enqueue_dma source(%dma_start3A_38 : memref<1000xi32, #tpu.memory_space<hbm>>) target(%arg8 : memref<1000xi32, #tpu.memory_space<vmem>>) target_semaphore(%run_scoped3A : memref<!tpu.dma_semaphore, #tpu.memory_space<semaphore_mem>>)
        %dma_wait3A_39 = tpu.memref_slice %arg4[%add3A_32] : memref<3200000xi32, #tpu.memory_space<hbm>> -> memref<1000xi32, #tpu.memory_space<hbm>>
        %dma_wait3A_40 = tpu.memref_slice %arg4[%add3A_32] : memref<3200000xi32, #tpu.memory_space<hbm>> -> memref<1000xi32, #tpu.memory_space<hbm>>
        tpu.wait_dma2 semaphore(%run_scoped3A : memref<!tpu.dma_semaphore, #tpu.memory_space<semaphore_mem>>) src(%dma_wait3A_40 : memref<1000xi32, #tpu.memory_space<hbm>>) dst(%arg8 : memref<1000xi32, #tpu.memory_space<vmem>>)
        tpu.yield
      }) : () -> ()
      %dma_start3A = arith.constant 0 : i32
      %dma_start3A_33 = arith.constant 0 : i32
      %dma_start3A_34 = tpu.memref_slice %arg2[%dma_start3A, %dma_start3A_33] : memref<100000x16xf32, #tpu.memory_space<hbm>> -> memref<100000x16xf32, #tpu.memory_space<hbm>>
      tpu.enqueue_indirect_dma source(%dma_start3A_34 : memref<100000x16xf32, #tpu.memory_space<hbm>>) target(%arg9 : memref<1000x16xf32, #tpu.memory_space<vmem>>) offsets(%arg7 : memref<1000xi32, #tpu.memory_space<vmem>>) semaphore(%arg11 : memref<!tpu.dma_semaphore, #tpu.memory_space<semaphore_mem>>)
      %dma_wait3A = arith.constant 0 : i32
      %dma_wait3A_35 = arith.constant 0 : i32
      %dma_wait3A_36 = tpu.memref_slice %arg2[%dma_wait3A, %dma_wait3A_35] : memref<100000x16xf32, #tpu.memory_space<hbm>> -> memref<100000x16xf32, #tpu.memory_space<hbm>>
      tpu.wait_indirect_dma semaphore(%arg11 : memref<!tpu.dma_semaphore, #tpu.memory_space<semaphore_mem>>) src(%dma_wait3A_36 : memref<100000x16xf32, #tpu.memory_space<hbm>>) dst(%arg9 : memref<1000x16xf32, #tpu.memory_space<vmem>>)
      "tpu.region"() ({
        %run_scoped3A = tpu.sem_alloc : memref<!tpu.dma_semaphore, #tpu.memory_space<semaphore_mem>>
        %dma_start3A_37 = arith.constant 0 : i32
        %dma_start3A_38 = arith.constant 0 : i32
        %dma_start3A_39 = tpu.memref_slice %arg10[%dma_start3A_37, %dma_start3A_38] : memref<100096x16xf32, #tpu.memory_space<vmem_shared>> -> memref<100096x16xf32, #tpu.memory_space<vmem_shared>>
        tpu.enqueue_indirect_dma source(%arg9 : memref<1000x16xf32, #tpu.memory_space<vmem>>) target(%dma_start3A_39 : memref<100096x16xf32, #tpu.memory_space<vmem_shared>>) offsets(%arg8 : memref<1000xi32, #tpu.memory_space<vmem>>) semaphore(%run_scoped3A : memref<!tpu.dma_semaphore, #tpu.memory_space<semaphore_mem>>) {add = true}
        %dma_wait3A_40 = arith.constant 0 : i32
        %dma_wait3A_41 = arith.constant 0 : i32
        %dma_wait3A_42 = tpu.memref_slice %arg10[%dma_wait3A_40, %dma_wait3A_41] : memref<100096x16xf32, #tpu.memory_space<vmem_shared>> -> memref<100096x16xf32, #tpu.memory_space<vmem_shared>>
        tpu.wait_indirect_dma semaphore(%run_scoped3A : memref<!tpu.dma_semaphore, #tpu.memory_space<semaphore_mem>>) src(%arg9 : memref<1000x16xf32, #tpu.memory_space<vmem>>) dst(%dma_wait3A_42 : memref<100096x16xf32, #tpu.memory_space<vmem_shared>>)
        tpu.yield
      }) : () -> ()
    }
    %barrier3A_14 = arith.constant 0 : index
    tpu.barrier barrier_id(%barrier3A_14)
    %mul3A_15 = arith.constant 100000 : i32
    %mul3A_16 = arith.muli %arg0, %mul3A_15 : i32
    %mul3A_17 = arith.constant 6256 : i32
    %mul3A_18 = arith.muli %arg1, %mul3A_17 : i32
    %add3A = arith.addi %mul3A_16, %mul3A_18 : i32
    %multiple_of3A_19 = tpu.assume_multiple %add3A, 8 : i32
    %lt3A = arith.constant 15 : i32
    %lt3A_20 = arith.cmpi slt, %arg1, %lt3A : i32
    %convert_element_type3A = arith.extui %lt3A_20 : i1 to i32
    %cond3A = arith.constant 0 : i32
    %cond3A_21 = arith.cmpi ne, %convert_element_type3A, %cond3A : i32
    scf.if %cond3A_21 {
      %mul3A_27 = arith.constant 6256 : i32
      %mul3A_28 = arith.muli %arg1, %mul3A_27 : i32
      %multiple_of3A_29 = tpu.assume_multiple %mul3A_28, 8 : i32
      "tpu.region"() ({
        %run_scoped3A = tpu.sem_alloc : memref<!tpu.dma_semaphore, #tpu.memory_space<semaphore_mem>>
        %dma_start3A = arith.constant 0 : i32
        %dma_start3A_30 = tpu.memref_slice %arg6[%multiple_of3A_19, %dma_start3A] : memref<200000x16xf32, #tpu.memory_space<hbm>> -> memref<6256x16xf32, #tpu.memory_space<hbm>>
        %dma_start3A_31 = arith.constant 0 : i32
        %dma_start3A_32 = tpu.memref_slice %arg10[%multiple_of3A_29, %dma_start3A_31] : memref<100096x16xf32, #tpu.memory_space<vmem_shared>> -> memref<6256x16xf32, #tpu.memory_space<vmem_shared>>
        tpu.enqueue_dma source(%dma_start3A_32 : memref<6256x16xf32, #tpu.memory_space<vmem_shared>>) target(%dma_start3A_30 : memref<6256x16xf32, #tpu.memory_space<hbm>>) target_semaphore(%run_scoped3A : memref<!tpu.dma_semaphore, #tpu.memory_space<semaphore_mem>>)
        %dma_wait3A = arith.constant 0 : i32
        %dma_wait3A_33 = tpu.memref_slice %arg6[%multiple_of3A_19, %dma_wait3A] : memref<200000x16xf32, #tpu.memory_space<hbm>> -> memref<6256x16xf32, #tpu.memory_space<hbm>>
        %dma_wait3A_34 = arith.constant 0 : i32
        %dma_wait3A_35 = tpu.memref_slice %arg10[%multiple_of3A_29, %dma_wait3A_34] : memref<100096x16xf32, #tpu.memory_space<vmem_shared>> -> memref<6256x16xf32, #tpu.memory_space<vmem_shared>>
        tpu.wait_dma2 semaphore(%run_scoped3A : memref<!tpu.dma_semaphore, #tpu.memory_space<semaphore_mem>>) src(%dma_wait3A_35 : memref<6256x16xf32, #tpu.memory_space<vmem_shared>>) dst(%dma_wait3A_33 : memref<6256x16xf32, #tpu.memory_space<hbm>>)
        tpu.yield
      }) : () -> ()
    } else {
    }
    %eq3A_22 = arith.constant 15 : i32
    %eq3A_23 = arith.cmpi eq, %arg1, %eq3A_22 : i32
    %convert_element_type3A_24 = arith.extui %eq3A_23 : i1 to i32
    %cond3A_25 = arith.constant 0 : i32
    %cond3A_26 = arith.cmpi ne, %convert_element_type3A_24, %cond3A_25 : i32
    scf.if %cond3A_26 {
      "tpu.region"() ({
        %run_scoped3A = tpu.sem_alloc : memref<!tpu.dma_semaphore, #tpu.memory_space<semaphore_mem>>
        %dma_start3A = arith.constant 0 : i32
        %dma_start3A_27 = tpu.memref_slice %arg6[%multiple_of3A_19, %dma_start3A] : memref<200000x16xf32, #tpu.memory_space<hbm>> -> memref<6160x16xf32, #tpu.memory_space<hbm>>
        %dma_start3A_28 = arith.constant 93840 : i32
        %dma_start3A_29 = arith.constant 0 : i32
        %dma_start3A_30 = tpu.memref_slice %arg10[%dma_start3A_28, %dma_start3A_29] : memref<100096x16xf32, #tpu.memory_space<vmem_shared>> -> memref<6160x16xf32, #tpu.memory_space<vmem_shared>>
        tpu.enqueue_dma source(%dma_start3A_30 : memref<6160x16xf32, #tpu.memory_space<vmem_shared>>) target(%dma_start3A_27 : memref<6160x16xf32, #tpu.memory_space<hbm>>) target_semaphore(%run_scoped3A : memref<!tpu.dma_semaphore, #tpu.memory_space<semaphore_mem>>)
        %dma_wait3A = arith.constant 0 : i32
        %dma_wait3A_31 = tpu.memref_slice %arg6[%multiple_of3A_19, %dma_wait3A] : memref<200000x16xf32, #tpu.memory_space<hbm>> -> memref<6160x16xf32, #tpu.memory_space<hbm>>
        %dma_wait3A_32 = arith.constant 93840 : i32
        %dma_wait3A_33 = arith.constant 0 : i32
        %dma_wait3A_34 = tpu.memref_slice %arg10[%dma_wait3A_32, %dma_wait3A_33] : memref<100096x16xf32, #tpu.memory_space<vmem_shared>> -> memref<6160x16xf32, #tpu.memory_space<vmem_shared>>
        tpu.wait_dma2 semaphore(%run_scoped3A : memref<!tpu.dma_semaphore, #tpu.memory_space<semaphore_mem>>) src(%dma_wait3A_34 : memref<6160x16xf32, #tpu.memory_space<vmem_shared>>) dst(%dma_wait3A_31 : memref<6160x16xf32, #tpu.memory_space<hbm>>)
        tpu.yield
      }) : () -> ()
    } else {
    }
    return
  }
}

#map = affine_map<(d0, d1) -> (0, 0)>
#map1 = affine_map<(d0, d1) -> (0)>
module attributes {stable_mosaic.version = 14 : i64} {
  func.func @body(%arg0: i32, %arg1: i32, %arg2: memref<100000x16xf32, #tpu.memory_space<hbm>>, %arg3: memref<3200000xi32, #tpu.memory_space<hbm>>, %arg4: memref<3200000xi32, #tpu.memory_space<hbm>>, %arg5: memref<6256x16xf32, #tpu.memory_space<hbm>>, %arg6: memref<200000x16xf32, #tpu.memory_space<hbm>>, %arg7: memref<1000xi32, #tpu.memory_space<vmem>>, %arg8: memref<1000xi32, #tpu.memory_space<vmem>>, %arg9: memref<1000x16xf32, #tpu.memory_space<vmem>>, %arg10: memref<100096x16xf32, #tpu.memory_space<vmem_shared>>, %arg11: memref<!tpu.dma_semaphore, #tpu.memory_space<semaphore_mem>>) attributes {dimension_semantics = [#tpu.dimension_semantics<core_parallel>, #tpu.dimension_semantics<subcore_parallel>], iteration_bounds = array<i64: 2, 16>, scalar_prefetch = 0 : i64, scratch_operands = 5 : i64, tpu.core_type = #tpu.core_type<sc_vector_subcore>, window_params = [{transform_indices = #map}, {transform_indices = #map1}, {transform_indices = #map1}, {transform_indices = #map}, {transform_indices = #map}]} {
    %mul3A = arith.constant 6256 : i32
    %mul3A_0 = arith.muli %arg1, %mul3A : i32
    %multiple_of3A = tpu.assume_multiple %mul3A_0, 8 : i32
    "tpu.region"() ({
      %run_scoped3A = tpu.sem_alloc : memref<!tpu.dma_semaphore, #tpu.memory_space<semaphore_mem>>
      %dma_start3A = arith.constant 0 : i32
      %dma_start3A_27 = tpu.memref_slice %arg10[%multiple_of3A, %dma_start3A] : memref<100096x16xf32, #tpu.memory_space<vmem_shared>> -> memref<6256x16xf32, #tpu.memory_space<vmem_shared>>
      tpu.enqueue_dma source(%arg5 : memref<6256x16xf32, #tpu.memory_space<hbm>>) target(%dma_start3A_27 : memref<6256x16xf32, #tpu.memory_space<vmem_shared>>) target_semaphore(%run_scoped3A : memref<!tpu.dma_semaphore, #tpu.memory_space<semaphore_mem>>)
      %dma_wait3A = arith.constant 0 : i32
      %dma_wait3A_28 = tpu.memref_slice %arg10[%multiple_of3A, %dma_wait3A] : memref<100096x16xf32, #tpu.memory_space<vmem_shared>> -> memref<6256x16xf32, #tpu.memory_space<vmem_shared>>
      tpu.wait_dma2 semaphore(%run_scoped3A : memref<!tpu.dma_semaphore, #tpu.memory_space<semaphore_mem>>) src(%arg5 : memref<6256x16xf32, #tpu.memory_space<hbm>>) dst(%dma_wait3A_28 : memref<6256x16xf32, #tpu.memory_space<vmem_shared>>)
      tpu.yield
    }) : () -> ()
    %barrier3A = arith.constant 0 : index
    tpu.barrier barrier_id(%barrier3A)
    %eq3A = arith.constant 0 : i32
    %eq3A_1 = arith.cmpi eq, %arg0, %eq3A : i32
    %jit3A = arith.constant 100 : i32
    %jit3A_2 = arith.constant 100 : i32
    %select_n3A = arith.select %eq3A_1, %jit3A, %jit3A_2 : i32
    %mul3A_3 = arith.constant 1600000 : i32
    %mul3A_4 = arith.muli %arg0, %mul3A_3 : i32
    %while3A = arith.constant 0 : i32
    %while3A_5 = arith.constant 0 : i32
    %while3A_6 = arith.subi %select_n3A, %while3A_5 : i32
    %while3A_7 = arith.addi %while3A_5, %while3A_6 : i32
    %while3A_8 = arith.constant 1 : i32
    %while3A_9 = arith.divsi %while3A_6, %while3A_8 : i32
    %while3A_10 = arith.muli %while3A_9, %while3A_8 : i32
    %while3A_11 = arith.addi %while3A_5, %while3A_10 : i32
    %while3A_12 = arith.constant 1 : i32
    scf.for %while3A_27 = %while3A_5 to %while3A_11 step %while3A_12  : i32 {
      %mul3A_28 = arith.muli %arg1, %select_n3A : i32
      %add3A_29 = arith.addi %mul3A_28, %while3A_27 : i32
      %mul3A_30 = arith.constant 1000 : i32
      %mul3A_31 = arith.muli %add3A_29, %mul3A_30 : i32
      %add3A_32 = arith.addi %mul3A_4, %mul3A_31 : i32
      "tpu.region"() ({
        %run_scoped3A = tpu.sem_alloc : memref<!tpu.dma_semaphore, #tpu.memory_space<semaphore_mem>>
        %dma_start3A_37 = tpu.memref_slice %arg3[%add3A_32] : memref<3200000xi32, #tpu.memory_space<hbm>> -> memref<1000xi32, #tpu.memory_space<hbm>>
        %dma_start3A_38 = tpu.memref_slice %arg3[%add3A_32] : memref<3200000xi32, #tpu.memory_space<hbm>> -> memref<1000xi32, #tpu.memory_space<hbm>>
        tpu.enqueue_dma source(%dma_start3A_38 : memref<1000xi32, #tpu.memory_space<hbm>>) target(%arg7 : memref<1000xi32, #tpu.memory_space<vmem>>) target_semaphore(%run_scoped3A : memref<!tpu.dma_semaphore, #tpu.memory_space<semaphore_mem>>)
        %dma_wait3A_39 = tpu.memref_slice %arg3[%add3A_32] : memref<3200000xi32, #tpu.memory_space<hbm>> -> memref<1000xi32, #tpu.memory_space<hbm>>
        %dma_wait3A_40 = tpu.memref_slice %arg3[%add3A_32] : memref<3200000xi32, #tpu.memory_space<hbm>> -> memref<1000xi32, #tpu.memory_space<hbm>>
        tpu.wait_dma2 semaphore(%run_scoped3A : memref<!tpu.dma_semaphore, #tpu.memory_space<semaphore_mem>>) src(%dma_wait3A_40 : memref<1000xi32, #tpu.memory_space<hbm>>) dst(%arg7 : memref<1000xi32, #tpu.memory_space<vmem>>)
        tpu.yield
      }) : () -> ()
      "tpu.region"() ({
        %run_scoped3A = tpu.sem_alloc : memref<!tpu.dma_semaphore, #tpu.memory_space<semaphore_mem>>
        %dma_start3A_37 = tpu.memref_slice %arg4[%add3A_32] : memref<3200000xi32, #tpu.memory_space<hbm>> -> memref<1000xi32, #tpu.memory_space<hbm>>
        %dma_start3A_38 = tpu.memref_slice %arg4[%add3A_32] : memref<3200000xi32, #tpu.memory_space<hbm>> -> memref<1000xi32, #tpu.memory_space<hbm>>
        tpu.enqueue_dma source(%dma_start3A_38 : memref<1000xi32, #tpu.memory_space<hbm>>) target(%arg8 : memref<1000xi32, #tpu.memory_space<vmem>>) target_semaphore(%run_scoped3A : memref<!tpu.dma_semaphore, #tpu.memory_space<semaphore_mem>>)
        %dma_wait3A_39 = tpu.memref_slice %arg4[%add3A_32] : memref<3200000xi32, #tpu.memory_space<hbm>> -> memref<1000xi32, #tpu.memory_space<hbm>>
        %dma_wait3A_40 = tpu.memref_slice %arg4[%add3A_32] : memref<3200000xi32, #tpu.memory_space<hbm>> -> memref<1000xi32, #tpu.memory_space<hbm>>
        tpu.wait_dma2 semaphore(%run_scoped3A : memref<!tpu.dma_semaphore, #tpu.memory_space<semaphore_mem>>) src(%dma_wait3A_40 : memref<1000xi32, #tpu.memory_space<hbm>>) dst(%arg8 : memref<1000xi32, #tpu.memory_space<vmem>>)
        tpu.yield
      }) : () -> ()
      %dma_start3A = arith.constant 0 : i32
      %dma_start3A_33 = arith.constant 0 : i32
      %dma_start3A_34 = tpu.memref_slice %arg2[%dma_start3A, %dma_start3A_33] : memref<100000x16xf32, #tpu.memory_space<hbm>> -> memref<100000x16xf32, #tpu.memory_space<hbm>>
      tpu.enqueue_indirect_dma source(%dma_start3A_34 : memref<100000x16xf32, #tpu.memory_space<hbm>>) target(%arg9 : memref<1000x16xf32, #tpu.memory_space<vmem>>) offsets(%arg7 : memref<1000xi32, #tpu.memory_space<vmem>>) semaphore(%arg11 : memref<!tpu.dma_semaphore, #tpu.memory_space<semaphore_mem>>)
      %dma_wait3A = arith.constant 0 : i32
      %dma_wait3A_35 = arith.constant 0 : i32
      %dma_wait3A_36 = tpu.memref_slice %arg2[%dma_wait3A, %dma_wait3A_35] : memref<100000x16xf32, #tpu.memory_space<hbm>> -> memref<100000x16xf32, #tpu.memory_space<hbm>>
      tpu.wait_indirect_dma semaphore(%arg11 : memref<!tpu.dma_semaphore, #tpu.memory_space<semaphore_mem>>) src(%dma_wait3A_36 : memref<100000x16xf32, #tpu.memory_space<hbm>>) dst(%arg9 : memref<1000x16xf32, #tpu.memory_space<vmem>>)
      "tpu.region"() ({
        %run_scoped3A = tpu.sem_alloc : memref<!tpu.dma_semaphore, #tpu.memory_space<semaphore_mem>>
        %dma_start3A_37 = arith.constant 0 : i32
        %dma_start3A_38 = arith.constant 0 : i32
        %dma_start3A_39 = tpu.memref_slice %arg10[%dma_start3A_37, %dma_start3A_38] : memref<100096x16xf32, #tpu.memory_space<vmem_shared>> -> memref<100096x16xf32, #tpu.memory_space<vmem_shared>>
        tpu.enqueue_indirect_dma source(%arg9 : memref<1000x16xf32, #tpu.memory_space<vmem>>) target(%dma_start3A_39 : memref<100096x16xf32, #tpu.memory_space<vmem_shared>>) offsets(%arg8 : memref<1000xi32, #tpu.memory_space<vmem>>) semaphore(%run_scoped3A : memref<!tpu.dma_semaphore, #tpu.memory_space<semaphore_mem>>) {add = true}
        %dma_wait3A_40 = arith.constant 0 : i32
        %dma_wait3A_41 = arith.constant 0 : i32
        %dma_wait3A_42 = tpu.memref_slice %arg10[%dma_wait3A_40, %dma_wait3A_41] : memref<100096x16xf32, #tpu.memory_space<vmem_shared>> -> memref<100096x16xf32, #tpu.memory_space<vmem_shared>>
        tpu.wait_indirect_dma semaphore(%run_scoped3A : memref<!tpu.dma_semaphore, #tpu.memory_space<semaphore_mem>>) src(%arg9 : memref<1000x16xf32, #tpu.memory_space<vmem>>) dst(%dma_wait3A_42 : memref<100096x16xf32, #tpu.memory_space<vmem_shared>>)
        tpu.yield
      }) : () -> ()
    }
    %while3A_13 = arith.constant 1 : i32
    scf.for %while3A_27 = %while3A_11 to %while3A_7 step %while3A_13  : i32 {
      %mul3A_28 = arith.muli %arg1, %select_n3A : i32
      %add3A_29 = arith.addi %mul3A_28, %while3A_27 : i32
      %mul3A_30 = arith.constant 1000 : i32
      %mul3A_31 = arith.muli %add3A_29, %mul3A_30 : i32
      %add3A_32 = arith.addi %mul3A_4, %mul3A_31 : i32
      "tpu.region"() ({
        %run_scoped3A = tpu.sem_alloc : memref<!tpu.dma_semaphore, #tpu.memory_space<semaphore_mem>>
        %dma_start3A_37 = tpu.memref_slice %arg3[%add3A_32] : memref<3200000xi32, #tpu.memory_space<hbm>> -> memref<1000xi32, #tpu.memory_space<hbm>>
        %dma_start3A_38 = tpu.memref_slice %arg3[%add3A_32] : memref<3200000xi32, #tpu.memory_space<hbm>> -> memref<1000xi32, #tpu.memory_space<hbm>>
        tpu.enqueue_dma source(%dma_start3A_38 : memref<1000xi32, #tpu.memory_space<hbm>>) target(%arg7 : memref<1000xi32, #tpu.memory_space<vmem>>) target_semaphore(%run_scoped3A : memref<!tpu.dma_semaphore, #tpu.memory_space<semaphore_mem>>)
        %dma_wait3A_39 = tpu.memref_slice %arg3[%add3A_32] : memref<3200000xi32, #tpu.memory_space<hbm>> -> memref<1000xi32, #tpu.memory_space<hbm>>
        %dma_wait3A_40 = tpu.memref_slice %arg3[%add3A_32] : memref<3200000xi32, #tpu.memory_space<hbm>> -> memref<1000xi32, #tpu.memory_space<hbm>>
        tpu.wait_dma2 semaphore(%run_scoped3A : memref<!tpu.dma_semaphore, #tpu.memory_space<semaphore_mem>>) src(%dma_wait3A_40 : memref<1000xi32, #tpu.memory_space<hbm>>) dst(%arg7 : memref<1000xi32, #tpu.memory_space<vmem>>)
        tpu.yield
      }) : () -> ()
      "tpu.region"() ({
        %run_scoped3A = tpu.sem_alloc : memref<!tpu.dma_semaphore, #tpu.memory_space<semaphore_mem>>
        %dma_start3A_37 = tpu.memref_slice %arg4[%add3A_32] : memref<3200000xi32, #tpu.memory_space<hbm>> -> memref<1000xi32, #tpu.memory_space<hbm>>
        %dma_start3A_38 = tpu.memref_slice %arg4[%add3A_32] : memref<3200000xi32, #tpu.memory_space<hbm>> -> memref<1000xi32, #tpu.memory_space<hbm>>
        tpu.enqueue_dma source(%dma_start3A_38 : memref<1000xi32, #tpu.memory_space<hbm>>) target(%arg8 : memref<1000xi32, #tpu.memory_space<vmem>>) target_semaphore(%run_scoped3A : memref<!tpu.dma_semaphore, #tpu.memory_space<semaphore_mem>>)
        %dma_wait3A_39 = tpu.memref_slice %arg4[%add3A_32] : memref<3200000xi32, #tpu.memory_space<hbm>> -> memref<1000xi32, #tpu.memory_space<hbm>>
        %dma_wait3A_40 = tpu.memref_slice %arg4[%add3A_32] : memref<3200000xi32, #tpu.memory_space<hbm>> -> memref<1000xi32, #tpu.memory_space<hbm>>
        tpu.wait_dma2 semaphore(%run_scoped3A : memref<!tpu.dma_semaphore, #tpu.memory_space<semaphore_mem>>) src(%dma_wait3A_40 : memref<1000xi32, #tpu.memory_space<hbm>>) dst(%arg8 : memref<1000xi32, #tpu.memory_space<vmem>>)
        tpu.yield
      }) : () -> ()
      %dma_start3A = arith.constant 0 : i32
      %dma_start3A_33 = arith.constant 0 : i32
      %dma_start3A_34 = tpu.memref_slice %arg2[%dma_start3A, %dma_start3A_33] : memref<100000x16xf32, #tpu.memory_space<hbm>> -> memref<100000x16xf32, #tpu.memory_space<hbm>>
      tpu.enqueue_indirect_dma source(%dma_start3A_34 : memref<100000x16xf32, #tpu.memory_space<hbm>>) target(%arg9 : memref<1000x16xf32, #tpu.memory_space<vmem>>) offsets(%arg7 : memref<1000xi32, #tpu.memory_space<vmem>>) semaphore(%arg11 : memref<!tpu.dma_semaphore, #tpu.memory_space<semaphore_mem>>)
      %dma_wait3A = arith.constant 0 : i32
      %dma_wait3A_35 = arith.constant 0 : i32
      %dma_wait3A_36 = tpu.memref_slice %arg2[%dma_wait3A, %dma_wait3A_35] : memref<100000x16xf32, #tpu.memory_space<hbm>> -> memref<100000x16xf32, #tpu.memory_space<hbm>>
      tpu.wait_indirect_dma semaphore(%arg11 : memref<!tpu.dma_semaphore, #tpu.memory_space<semaphore_mem>>) src(%dma_wait3A_36 : memref<100000x16xf32, #tpu.memory_space<hbm>>) dst(%arg9 : memref<1000x16xf32, #tpu.memory_space<vmem>>)
      "tpu.region"() ({
        %run_scoped3A = tpu.sem_alloc : memref<!tpu.dma_semaphore, #tpu.memory_space<semaphore_mem>>
        %dma_start3A_37 = arith.constant 0 : i32
        %dma_start3A_38 = arith.constant 0 : i32
        %dma_start3A_39 = tpu.memref_slice %arg10[%dma_start3A_37, %dma_start3A_38] : memref<100096x16xf32, #tpu.memory_space<vmem_shared>> -> memref<100096x16xf32, #tpu.memory_space<vmem_shared>>
        tpu.enqueue_indirect_dma source(%arg9 : memref<1000x16xf32, #tpu.memory_space<vmem>>) target(%dma_start3A_39 : memref<100096x16xf32, #tpu.memory_space<vmem_shared>>) offsets(%arg8 : memref<1000xi32, #tpu.memory_space<vmem>>) semaphore(%run_scoped3A : memref<!tpu.dma_semaphore, #tpu.memory_space<semaphore_mem>>) {add = true}
        %dma_wait3A_40 = arith.constant 0 : i32
        %dma_wait3A_41 = arith.constant 0 : i32
        %dma_wait3A_42 = tpu.memref_slice %arg10[%dma_wait3A_40, %dma_wait3A_41] : memref<100096x16xf32, #tpu.memory_space<vmem_shared>> -> memref<100096x16xf32, #tpu.memory_space<vmem_shared>>
        tpu.wait_indirect_dma semaphore(%run_scoped3A : memref<!tpu.dma_semaphore, #tpu.memory_space<semaphore_mem>>) src(%arg9 : memref<1000x16xf32, #tpu.memory_space<vmem>>) dst(%dma_wait3A_42 : memref<100096x16xf32, #tpu.memory_space<vmem_shared>>)
        tpu.yield
      }) : () -> ()
    }
    %barrier3A_14 = arith.constant 0 : index
    tpu.barrier barrier_id(%barrier3A_14)
    %mul3A_15 = arith.constant 100000 : i32
    %mul3A_16 = arith.muli %arg0, %mul3A_15 : i32
    %mul3A_17 = arith.constant 6256 : i32
    %mul3A_18 = arith.muli %arg1, %mul3A_17 : i32
    %add3A = arith.addi %mul3A_16, %mul3A_18 : i32
    %multiple_of3A_19 = tpu.assume_multiple %add3A, 8 : i32
    %lt3A = arith.constant 15 : i32
    %lt3A_20 = arith.cmpi slt, %arg1, %lt3A : i32
    %convert_element_type3A = arith.extui %lt3A_20 : i1 to i32
    %cond3A = arith.constant 0 : i32
    %cond3A_21 = arith.cmpi ne, %convert_element_type3A, %cond3A : i32
    scf.if %cond3A_21 {
      %mul3A_27 = arith.constant 6256 : i32
      %mul3A_28 = arith.muli %arg1, %mul3A_27 : i32
      %multiple_of3A_29 = tpu.assume_multiple %mul3A_28, 8 : i32
      "tpu.region"() ({
        %run_scoped3A = tpu.sem_alloc : memref<!tpu.dma_semaphore, #tpu.memory_space<semaphore_mem>>
        %dma_start3A = arith.constant 0 : i32
        %dma_start3A_30 = tpu.memref_slice %arg6[%multiple_of3A_19, %dma_start3A] : memref<200000x16xf32, #tpu.memory_space<hbm>> -> memref<6256x16xf32, #tpu.memory_space<hbm>>
        %dma_start3A_31 = arith.constant 0 : i32
        %dma_start3A_32 = tpu.memref_slice %arg10[%multiple_of3A_29, %dma_start3A_31] : memref<100096x16xf32, #tpu.memory_space<vmem_shared>> -> memref<6256x16xf32, #tpu.memory_space<vmem_shared>>
        tpu.enqueue_dma source(%dma_start3A_32 : memref<6256x16xf32, #tpu.memory_space<vmem_shared>>) target(%dma_start3A_30 : memref<6256x16xf32, #tpu.memory_space<hbm>>) target_semaphore(%run_scoped3A : memref<!tpu.dma_semaphore, #tpu.memory_space<semaphore_mem>>)
        %dma_wait3A = arith.constant 0 : i32
        %dma_wait3A_33 = tpu.memref_slice %arg6[%multiple_of3A_19, %dma_wait3A] : memref<200000x16xf32, #tpu.memory_space<hbm>> -> memref<6256x16xf32, #tpu.memory_space<hbm>>
        %dma_wait3A_34 = arith.constant 0 : i32
        %dma_wait3A_35 = tpu.memref_slice %arg10[%multiple_of3A_29, %dma_wait3A_34] : memref<100096x16xf32, #tpu.memory_space<vmem_shared>> -> memref<6256x16xf32, #tpu.memory_space<vmem_shared>>
        tpu.wait_dma2 semaphore(%run_scoped3A : memref<!tpu.dma_semaphore, #tpu.memory_space<semaphore_mem>>) src(%dma_wait3A_35 : memref<6256x16xf32, #tpu.memory_space<vmem_shared>>) dst(%dma_wait3A_33 : memref<6256x16xf32, #tpu.memory_space<hbm>>)
        tpu.yield
      }) : () -> ()
    } else {
    }
    %eq3A_22 = arith.constant 15 : i32
    %eq3A_23 = arith.cmpi eq, %arg1, %eq3A_22 : i32
    %convert_element_type3A_24 = arith.extui %eq3A_23 : i1 to i32
    %cond3A_25 = arith.constant 0 : i32
    %cond3A_26 = arith.cmpi ne, %convert_element_type3A_24, %cond3A_25 : i32
    scf.if %cond3A_26 {
      "tpu.region"() ({
        %run_scoped3A = tpu.sem_alloc : memref<!tpu.dma_semaphore, #tpu.memory_space<semaphore_mem>>
        %dma_start3A = arith.constant 0 : i32
        %dma_start3A_27 = tpu.memref_slice %arg6[%multiple_of3A_19, %dma_start3A] : memref<200000x16xf32, #tpu.memory_space<hbm>> -> memref<6160x16xf32, #tpu.memory_space<hbm>>
        %dma_start3A_28 = arith.constant 93840 : i32
        %dma_start3A_29 = arith.constant 0 : i32
        %dma_start3A_30 = tpu.memref_slice %arg10[%dma_start3A_28, %dma_start3A_29] : memref<100096x16xf32, #tpu.memory_space<vmem_shared>> -> memref<6160x16xf32, #tpu.memory_space<vmem_shared>>
        tpu.enqueue_dma source(%dma_start3A_30 : memref<6160x16xf32, #tpu.memory_space<vmem_shared>>) target(%dma_start3A_27 : memref<6160x16xf32, #tpu.memory_space<hbm>>) target_semaphore(%run_scoped3A : memref<!tpu.dma_semaphore, #tpu.memory_space<semaphore_mem>>)
        %dma_wait3A = arith.constant 0 : i32
        %dma_wait3A_31 = tpu.memref_slice %arg6[%multiple_of3A_19, %dma_wait3A] : memref<200000x16xf32, #tpu.memory_space<hbm>> -> memref<6160x16xf32, #tpu.memory_space<hbm>>
        %dma_wait3A_32 = arith.constant 93840 : i32
        %dma_wait3A_33 = arith.constant 0 : i32
        %dma_wait3A_34 = tpu.memref_slice %arg10[%dma_wait3A_32, %dma_wait3A_33] : memref<100096x16xf32, #tpu.memory_space<vmem_shared>> -> memref<6160x16xf32, #tpu.memory_space<vmem_shared>>
        tpu.wait_dma2 semaphore(%run_scoped3A : memref<!tpu.dma_semaphore, #tpu.memory_space<semaphore_mem>>) src(%dma_wait3A_34 : memref<6160x16xf32, #tpu.memory_space<vmem_shared>>) dst(%dma_wait3A_31 : memref<6160x16xf32, #tpu.memory_space<hbm>>)
        tpu.yield
      }) : () -> ()
    } else {
    }
    return
  }
}

module attributes {stable_mosaic.version = 14 : i64} {
  func.func @mm_body(%arg0: i32, %arg1: memref<1000x16xf32, #tpu.memory_space<vmem>>, %arg2: memref<1000x16xf32, #tpu.memory_space<vmem>>, %arg3: memref<16x1000xf32, #tpu.memory_space<vmem>>, %arg4: memref<1x1000xf32, #tpu.memory_space<vmem>>, %arg5: memref<1000x16xf32, #tpu.memory_space<vmem>>, %arg6: memref<1000x16xf32, #tpu.memory_space<vmem>>) attributes {dimension_semantics = [#tpu.dimension_semantics<arbitrary>], iteration_bounds = array<i64: 100>, scalar_prefetch = 0 : i64, scratch_operands = 0 : i64, tpu.core_type = #tpu.core_type<tc>, window_params = [{transform_indices = @transform_0, window_bounds = array<i64: 1000, 16>}, {transform_indices = @transform_1, window_bounds = array<i64: 1000, 16>}, {pipeline_mode = #tpu.pipeline_mode<synchronous>, transform_indices = @transform_2, window_bounds = array<i64: 16, 1000>}, {pipeline_mode = #tpu.pipeline_mode<synchronous>, transform_indices = @transform_3, window_bounds = array<i64: 1, 1000>}, {pipeline_mode = #tpu.pipeline_mode<synchronous>, transform_indices = @transform_4, window_bounds = array<i64: 1000, 16>}, {transform_indices = @transform_5, window_bounds = array<i64: 1000, 16>}]} {
    %get3A = arith.constant 0 : index
    %get3A_0 = arith.constant 0 : index
    %get3A_1 = vector.load %arg1[%get3A, %get3A_0] : memref<1000x16xf32, #tpu.memory_space<vmem>>, vector<1000x16xf32>
    %get3A_2 = arith.constant 0 : index
    %get3A_3 = arith.constant 0 : index
    %get3A_4 = vector.load %arg2[%get3A_2, %get3A_3] : memref<1000x16xf32, #tpu.memory_space<vmem>>, vector<1000x16xf32>
    %add3A = arith.addf %get3A_1, %get3A_4 : vector<1000x16xf32>
    %get3A_5 = arith.constant 0 : index
    %get3A_6 = arith.constant 0 : index
    %get3A_7 = vector.load %arg3[%get3A_5, %get3A_6] : memref<16x1000xf32, #tpu.memory_space<vmem>>, vector<16x1000xf32>
    %dot_general3A = arith.constant dense<0.000000e+00> : vector<1000x1000xf32>
    %dot_general3A_8 = tpu.matmul %add3A, %get3A_7, %dot_general3A {dimension_numbers = #tpu.dot_dimension_numbers<[1], [0], [0], [1], [0, 0, 1, 1], [], []>, transpose_lhs_hint = false} : vector<1000x16xf32>, vector<16x1000xf32>, vector<1000x1000xf32> -> vector<1000x1000xf32>
    %get3A_9 = arith.constant 0 : index
    %get3A_10 = arith.constant 0 : index
    %get3A_11 = vector.load %arg4[%get3A_9, %get3A_10] : memref<1x1000xf32, #tpu.memory_space<vmem>>, vector<1x1000xf32>
    %add3A_12 = vector.broadcast %get3A_11 : vector<1x1000xf32> to vector<1000x1000xf32>
    %add3A_13 = arith.addf %dot_general3A_8, %add3A_12 : vector<1000x1000xf32>
    %max3A = arith.constant 0.000000e+00 : f32
    %max3A_14 = vector.broadcast %max3A : f32 to vector<1000x1000xf32>
    %max3A_15 = arith.maximumf %add3A_13, %max3A_14 : vector<1000x1000xf32>
    %get3A_16 = arith.constant 0 : index
    %get3A_17 = arith.constant 0 : index
    %get3A_18 = vector.load %arg5[%get3A_16, %get3A_17] : memref<1000x16xf32, #tpu.memory_space<vmem>>, vector<1000x16xf32>
    %dot_general3A_19 = arith.constant dense<0.000000e+00> : vector<1000x16xf32>
    %dot_general3A_20 = tpu.matmul %max3A_15, %get3A_18, %dot_general3A_19 {dimension_numbers = #tpu.dot_dimension_numbers<[1], [0], [0], [1], [0, 0, 1, 1], [], []>, transpose_lhs_hint = false} : vector<1000x1000xf32>, vector<1000x16xf32>, vector<1000x16xf32> -> vector<1000x16xf32>
    %swap3A = arith.constant 0 : index
    %swap3A_21 = arith.constant 0 : index
    %swap3A_22 = vector.load %arg6[%swap3A, %swap3A_21] : memref<1000x16xf32, #tpu.memory_space<vmem>>, vector<1000x16xf32>
    tpu.vector_store %arg6[%swap3A, %swap3A_21], %dot_general3A_20 {strides = array<i32>} : memref<1000x16xf32, #tpu.memory_space<vmem>>, vector<1000x16xf32>,
    return
  }
  func.func @transform_0(%arg0: i32) -> (i32, i32) {
    %c0_i32 = arith.constant 0 : i32
    %c0_i32_0 = arith.constant 0 : i32
    return %arg0, %c0_i32 : i32, i32
  }
  func.func @transform_1(%arg0: i32) -> (i32, i32) {
    %add3A = arith.constant 100 : i32
    %add3A_0 = arith.addi %arg0, %add3A : i32
    %c0_i32 = arith.constant 0 : i32
    %c0_i32_1 = arith.constant 0 : i32
    return %add3A_0, %c0_i32 : i32, i32
  }
  func.func @transform_2(%arg0: i32) -> (i32, i32) {
    %c0_i32 = arith.constant 0 : i32
    %c0_i32_0 = arith.constant 0 : i32
    %c0_i32_1 = arith.constant 0 : i32
    return %c0_i32, %c0_i32_0 : i32, i32
  }
  func.func @transform_3(%arg0: i32) -> (i32, i32) {
    %c0_i32 = arith.constant 0 : i32
    %c0_i32_0 = arith.constant 0 : i32
    %c0_i32_1 = arith.constant 0 : i32
    return %c0_i32, %c0_i32_0 : i32, i32
  }
  func.func @transform_4(%arg0: i32) -> (i32, i32) {
    %c0_i32 = arith.constant 0 : i32
    %c0_i32_0 = arith.constant 0 : i32
    %c0_i32_1 = arith.constant 0 : i32
    return %c0_i32, %c0_i32_0 : i32, i32
  }
  func.func @transform_5(%arg0: i32) -> (i32, i32) {
    %c0_i32 = arith.constant 0 : i32
    %c0_i32_0 = arith.constant 0 : i32
    return %arg0, %c0_i32 : i32, i32
  }
}

module attributes {stable_mosaic.version = 14 : i64} {
  func.func @body(%arg0: i32, %arg1: memref<2000x16xf32, #tpu.memory_space<vmem>>, %arg2: memref<2000x16xf32, #tpu.memory_space<vmem>>, %arg3: memref<1x16xf32, #tpu.memory_space<vmem>>, %arg4: memref<2000x16xf32, #tpu.memory_space<vmem>>) attributes {dimension_semantics = [#tpu.dimension_semantics<arbitrary>], iteration_bounds = array<i64: 50>, scalar_prefetch = 0 : i64, scratch_operands = 0 : i64, tpu.core_type = #tpu.core_type<tc>, window_params = [{transform_indices = @transform_0, window_bounds = array<i64: 2000, 16>}, {transform_indices = @transform_1, window_bounds = array<i64: 2000, 16>}, {pipeline_mode = #tpu.pipeline_mode<synchronous>, transform_indices = @transform_2, window_bounds = array<i64: 1, 16>}, {transform_indices = @transform_3, window_bounds = array<i64: 2000, 16>}]} {
    %get3A = arith.constant 0 : index
    %get3A_0 = arith.constant 0 : index
    %get3A_1 = vector.load %arg1[%get3A, %get3A_0] : memref<2000x16xf32, #tpu.memory_space<vmem>>, vector<2000x16xf32>
    %get3A_2 = arith.constant 0 : index
    %get3A_3 = arith.constant 0 : index
    %get3A_4 = vector.load %arg2[%get3A_2, %get3A_3] : memref<2000x16xf32, #tpu.memory_space<vmem>>, vector<2000x16xf32>
    %add3A = arith.addf %get3A_1, %get3A_4 : vector<2000x16xf32>
    %get3A_5 = arith.constant 0 : index
    %get3A_6 = arith.constant 0 : index
    %get3A_7 = vector.load %arg3[%get3A_5, %get3A_6] : memref<1x16xf32, #tpu.memory_space<vmem>>, vector<1x16xf32>
    %add3A_8 = vector.broadcast %get3A_7 : vector<1x16xf32> to vector<2000x16xf32>
    %add3A_9 = arith.addf %add3A, %add3A_8 : vector<2000x16xf32>
    %swap3A = arith.constant 0 : index
    %swap3A_10 = arith.constant 0 : index
    %swap3A_11 = vector.load %arg4[%swap3A, %swap3A_10] : memref<2000x16xf32, #tpu.memory_space<vmem>>, vector<2000x16xf32>
    tpu.vector_store %arg4[%swap3A, %swap3A_10], %add3A_9 {strides = array<i32>} : memref<2000x16xf32, #tpu.memory_space<vmem>>, vector<2000x16xf32>,
    return
  }
  func.func @transform_0(%arg0: i32) -> (i32, i32) {
    %c0_i32 = arith.constant 0 : i32
    %c0_i32_0 = arith.constant 0 : i32
    return %arg0, %c0_i32 : i32, i32
  }
  func.func @transform_1(%arg0: i32) -> (i32, i32) {
    %add3A = arith.constant 50 : i32
    %add3A_0 = arith.addi %arg0, %add3A : i32
    %c0_i32 = arith.constant 0 : i32
    %c0_i32_1 = arith.constant 0 : i32
    return %add3A_0, %c0_i32 : i32, i32
  }
  func.func @transform_2(%arg0: i32) -> (i32, i32) {
    %c0_i32 = arith.constant 0 : i32
    %c0_i32_0 = arith.constant 0 : i32
    %c0_i32_1 = arith.constant 0 : i32
    return %c0_i32, %c0_i32_0 : i32, i32
  }
  func.func @transform_3(%arg0: i32) -> (i32, i32) {
    %c0_i32 = arith.constant 0 : i32
    %c0_i32_0 = arith.constant 0 : i32
    return %arg0, %c0_i32 : i32, i32
  }
}

</mosaic_0001>

<sc_bundles>
// kernel: kernel.6.cloned.1.call-start
scs
__scs_entry_jumppad:
0x0: {  	(pc) =	sbr.rel $0x88, $3  }
0x1: {  	(tag) =	ssettag $0x0;
	lr =	simm.s32 $0x1  }
0x2: {  	[smem:$0x3F9B] =	sst lr;
	_ =	strace $0xD0000000  }
0x3: {  	_ = 	snop  }
0x4: {  	_ = 	snop  }
0x5: {  	_ = 	snop  }
0x6: {  	_ = 	snop  }
0x7: {  	_ = 	snop  }
__scs_overlays_trampoline_lowered:
0x8: {  	[smem:$0x3FAA] =	sst s0  }
0x9: {  	[smem:$0x3FAB] =	sst s1  }
0xa: {  	[smem:$0x3FAC] =	sst s2  }
0xb: {  	[smem:$0x3FAD] =	sst s3  }
0xc: {  	[smem:$0x3FAE] =	sst s4  }
0xd: {  	[smem:$0x3FAF] =	sst s5  }
0xe: {  	[smem:$0x3FB0] =	sst s6  }
0xf: {  	[smem:$0x3FB1] =	sst s7  }
0x10: {  	[smem:$0x3FB2] =	sst s8  }
0x11: {  	[smem:$0x3FB3] =	sst s9;
	s0 =	simm.s32 @!p0 $0x0  }
0x12: {  	s1 =	sld [smem:$0x3F99];
	s0 =	simm.s32 @p0 $0x1  }
0x13: {  	[smem:$0x3FB4] =	sst s0;
	s0 =	simm.s32 @!p1 $0x0  }
0x14: {  	s2 =	sld [smem:$0x3F98];
	s0 =	simm.s32 @p1 $0x1  }
0x15: {  	[smem:$0x3FB5] =	sst s0;
	s0 =	simm.s32 @!p2 $0x0  }
0x16: {  	s3 =	sld [smem:$0x3FDB];
	s0 =	simm.s32 @p2 $0x1  }
0x17: {  	s4 =	simm.s32 $0x1BF5;
	[smem:$0x3FB7] =	sst s0  }
0x18: {  	s0 =	sld [smem:$0x3F9A];
	_ =	swait.ge [sflag:s4], $0x0  }
0x19: {  	s7 =	sld [smem:$0x3F9B]  }
0x1a: {  	s8 =	sadd.s32 $0xFFFFE003, lr  }
0x1b: {  	s9 =	sadd.s32 $0xFFFFFEF7, lr;
	s5 =	simm.s32 $0xFFFFFFFF;
	p2 =	slt.u32 s8, $0xFFFFF086  }
0x1c: {  	p1 =	slt.u32 s9, $0xF7A;
	s5 =	simm.s32 @!p2 $0x0  }
0x1d: {  	s5 =	simm.s32 @p1 $0x1;
	p0 =	seq.s32 s7, s2  }
0x1e: {  	s7 =	smul.u32 @!p0 $0xF7A, s2;
	p2 =	seq.s32 @!p0 s5, $0x0  }
0x1f: {  	s9 =	smul.u32 $0xF7A, s1;
	s8 =	simm.s32 @!p0 $0x1BF5;
	p2 =	por !p2, p0  }
0x20: {  	[sflag:s8] =	ssyncset.s32 @!p0 $0xFFFFF086;
	s6 =	sadd.s32 @!p0 s3, s7;
	s7 =	simm.s32 @!p0 $0x108  }
0x21: {  	s3 =	sadd.s32 s3, s9;
	s6 =	sadd.s32 @!p0 $0x88, s6;
	s7 =	simm.s32 @p2 $0x1082  }
0x22: {  	[simem:s7], [sflag:s8] =	dma.local @!p0 [hbm:s6], $0xF7A  }
0x23: {  	s9 =	sor.u32 $0xD0000000, s2;
	s6 =	simm.s32 $0x108;
	_ =	swait.ge @!p0 [sflag:s8], $0x0  }
0x24: {  	s3 =	sadd.s32 $0x88, s3;
	s6 =	simm.s32 @!p1 $0x1082;
	[sflag:s4] =	ssyncset.s32 $0xFFFFF086  }
0x25: {  	[simem:s6], [sflag:s4] =	dma.local [hbm:s3], $0xF7A  }
0x26: {  	[smem:$0x3F9B] =	sst s1;
	(tag) =	ssettag s2;
	_ =	strace s9  }
0x27: {  	s1 =	sld [smem:$0x3FAB]  }
0x28: {  	s2 =	sld [smem:$0x3FAC]  }
0x29: {  	s4 =	sld [smem:$0x3FAE]  }
0x2a: {  	p0 =	seq.s32 s5, $0x0;
	s5 =	sld [smem:$0x3FAF]  }
0x2b: {  	s6 =	sld [smem:$0x3FB0]  }
0x2c: {  	s7 =	sld [smem:$0x3FB1]  }
0x2d: {  	s3 =	simm.s32 $0x108;
	s8 =	sld [smem:$0x3FB2]  }
0x2e: {  	s3 =	simm.s32 @!p0 $0x1082;
	s9 =	sld [smem:$0x3FB3]  }
0x2f: {  	lr =	sadd.s32 s0, s3;
	s0 =	sld [smem:$0x3FAA]  }
0x30: {  	s3 =	sld [smem:$0x3FAD]  }
0x31: {  	[smem:$0x3FB6] =	sst s10  }
0x32: {  	s10 =	sld [smem:$0x3FB4];
	_ =	sdelay $0x3  }
0x33: {  	p0 =	seq.s32 s10, $0x1;
	s10 =	sld [smem:$0x3FB6];
	_ =	sdelay $0x3  }
0x34: {  	[smem:$0x3FB6] =	sst s10  }
0x35: {  	s10 =	sld [smem:$0x3FB5];
	_ =	sdelay $0x3  }
0x36: {  	p1 =	seq.s32 s10, $0x1;
	s10 =	sld [smem:$0x3FB6];
	_ =	sdelay $0x3  }
0x37: {  	[smem:$0x3FB6] =	sst s10  }
0x38: {  	s10 =	sld [smem:$0x3FB7]  }
0x39: {  	_ = 	snop;
	(pc) =	sbr.ind lr, $3  }
0x3a: {  	_ = 	snop  }
0x3b: {  	_ = 	snop  }
0x3c: {  	p2 =	seq.s32 s10, $0x1;
	s10 =	sld [smem:$0x3FB6]  }
0x3d: {  	_ =	shalt  }
0x3e: {  	_ =	shalt  }
0x3f: {  	_ =	shalt  }
0x40: {  	_ =	shalt  }
0x41: {  	_ =	shalt  }
0x42: {  	_ =	shalt  }
0x43: {  	_ =	shalt  }
0x44: {  	_ =	shalt  }
0x45: {  	_ =	shalt  }
0x46: {  	_ =	shalt  }
0x47: {  	_ =	shalt  }
0x48: {  	_ =	shalt  }
0x49: {  	_ =	shalt  }
0x4a: {  	_ =	shalt  }
0x4b: {  	_ =	shalt  }
0x4c: {  	_ =	shalt  }
0x4d: {  	_ =	shalt  }
0x4e: {  	_ =	shalt  }
0x4f: {  	_ =	shalt  }
0x50: {  	_ =	shalt  }
0x51: {  	_ =	shalt  }
0x52: {  	_ =	shalt  }
0x53: {  	_ =	shalt  }
0x54: {  	_ =	shalt  }
0x55: {  	_ =	shalt  }
0x56: {  	_ =	shalt  }
0x57: {  	_ =	shalt  }
0x58: {  	_ =	shalt  }
0x59: {  	_ =	shalt  }
0x5a: {  	_ =	shalt  }
0x5b: {  	_ =	shalt  }
0x5c: {  	_ =	shalt  }
0x5d: {  	_ =	shalt  }
0x5e: {  	_ =	shalt  }
0x5f: {  	_ =	shalt  }
0x60: {  	_ =	shalt  }
0x61: {  	_ =	shalt  }
0x62: {  	_ =	shalt  }
0x63: {  	_ =	shalt  }
0x64: {  	_ =	shalt  }
0x65: {  	_ =	shalt  }
0x66: {  	_ =	shalt  }
0x67: {  	_ =	shalt  }
0x68: {  	_ =	shalt  }
0x69: {  	_ =	shalt  }
0x6a: {  	_ =	shalt  }
0x6b: {  	_ =	shalt  }
0x6c: {  	_ =	shalt  }
0x6d: {  	_ =	shalt  }
0x6e: {  	_ =	shalt  }
0x6f: {  	_ =	shalt  }
0x70: {  	_ =	shalt  }
0x71: {  	_ =	shalt  }
0x72: {  	_ =	shalt  }
0x73: {  	_ =	shalt  }
0x74: {  	_ =	shalt  }
0x75: {  	_ =	shalt  }
0x76: {  	_ =	shalt  }
0x77: {  	_ =	shalt  }
0x78: {  	_ =	shalt  }
0x79: {  	_ =	shalt  }
0x7a: {  	_ =	shalt  }
0x7b: {  	_ =	shalt  }
0x7c: {  	_ =	shalt  }
0x7d: {  	_ =	shalt  }
0x7e: {  	_ =	shalt  }
0x7f: {  	_ =	shalt  }
0x80: {  	_ =	shalt  }
0x81: {  	_ =	shalt  }
0x82: {  	_ =	shalt  }
0x83: {  	_ =	shalt  }
0x84: {  	_ =	shalt  }
0x85: {  	_ =	shalt  }
0x86: {  	_ =	shalt  }
0x87: {  	_ =	shalt  }
.Lfunc_end0:
.L_simem_size_0:
called_computation_lowered:
.L_overlay_start_0:
0x88: {  	s2 =	sld [smem:$0x3FD9]  }
0x89: {  	s3 =	sld [smem:$0x3FFE];
	_ =	sdelay $0x1  }
0x8a: {  	s1 =	srdreg.scid  }
0x8b: {  	s0 =	sand.u32 $0x1, s1  }
0x8c: {  	s17 =	sshll.u32 s0, $0xA;
	s2 =	sadd.s32 s3, s2  }
0x8d: {  	s2 =	sadd.s32 s2, s17  }
0x8e: {  	[smem:$0x3FC2] =	sst s2  }
0x8f: {  	_ = 	snop  }
0x90: {  	s2 =	sld [smem:$0x3FD0];
	(tm) =	ssettm $0x1  }
0x91: {  	s18 =	sld [smem:$0x3FFB];
	_ =	sdelay $0x3  }
0x92: {  	_ =	strace s18  }
0x93: {  	s3 =	sld [smem:$0x3FFC];
	_ =	sdelay $0x3  }
0x94: {  	_ =	strace s3  }
0x95: {  	s3 =	sld [smem:$0x3FFD];
	_ =	sdelay $0x3  }
0x96: {  	_ =	strace s3  }
0x97: {  	_ =	strace $0x8FFFFFFF  }
0x98: {  	s19 =	sld [smem:$0x3FDB];
	_ =	sdelay $0x1  }
0x99: {  	s4 =	simm.s32 $_scs_section_size  }
0x9a: {  	s5 =	simm.s32 $_size__tile_overlayer_lowered;
	s6 =	simm.s32 $_tile_overlayer_lowered  }
0x9b: {  	s22 =	simm.s32 $0x1BFF;
	s21 =	sshll.u32 s6, $0x1;
	s3 =	sadd.s32 s4, s19  }
0x9c: {  	s7 =	simm.s32 $0x0;
	s20 =	sshll.u32 s5, $0x1;
	s5 =	sadd.s32 s21, s3  }
0x9d: {  	[timem:s7], [sflag:s22] =	dma.local [hbm:s5], s20  }
0x9e: {  	_ =	swait.ge [sflag:s22], s20  }
0x9f: {  	s4 =	ssub.s32 $0x0, s20;
	[sflag:s22] =	ssyncset.done $0x0  }
0xa0: {  	[sflag:s22] =	ssyncadd.s32 s4;
	_ =	sdelay $0x1  }
0xa1: {  	s23 =	simm.s32 $0x1B8B  }
0xa2: {  	_ =	swait.ge [sflag:s23], $0x1  }
0xa3: {  	[sflag:s23] =	ssyncset.done $0x0  }
0xa4: {  	s25 =	simm.s32 $0x1B8E;
	s24 =	sld [smem:$0x3FFE];
	[sflag:s23] =	ssyncadd.s32 $0xFFFFFFFF  }
0xa5: {  	s26 =	simm.s32 $execute0_lowered;
	[smem:$0x3FD2] =	sst s25  }
0xa6: {  	s5 =	sshll.u32 s26, $0x1;
	_ =	strace $0x80000046;
	[dreg:$0x1] =	wrdreg $0xFFFFFFFF  }
0xa7: {  	s28 =	simm.s32 $_size_execute0_lowered;
	s3 =	sadd.s32 s3, s5;
	[dreg:$0x0] =	wrdreg $0x0  }
0xa8: {  	s5 =	sshll.u32 s28, $0x1;
	[dreg:$0x2] =	wrdreg s3  }
0xa9: {  	[dreg:$0x3] =	wrdreg s5  }
0xaa: {  	[dreg:$0x4] =	wrdreg $0xC0  }
0xab: {  	_ =	task [dreg:s7], $0x5FFFF  }
0xac: {  	[dreg:$0x1] =	wrdreg $0xFFFFFFFF  }
0xad: {  	[dreg:$0x0] =	wrdreg $0x60  }
0xae: {  	[dreg:$0x2] =	wrdreg s2  }
0xaf: {  	[dreg:$0x3] =	wrdreg s24  }
0xb0: {  	[dreg:$0x4] =	wrdreg $0x46500  }
0xb1: {  	[dreg:$0x5] =	wrdreg $0x9  }
0xb2: {  	_ =	task.clear_ibuf [dreg:s7], $0x6FFFF;
	_ =	strace $0x90000046  }
0xb3: {  	s29 =	simm.s32 $0x9;
	_ =	strace $0x80000048  }
0xb4: {  	_ =	swait.ge [sflag:s29], $0x1  }
0xb5: {  	[sflag:s29] =	ssyncadd.s32 $0xFFFFFFFF  }
0xb6: {  	_ =	strace $0x90000048  }
0xb7: {  	_ =	sfence  }
0xb8: {  	s30 =	sld [smem:$0x0];
	_ =	sdelay $0x2  }
0xb9: {  	s31 =	sshll.u32 s1, $0xD;
	s1 =	sshrl.u32 s1, $0x2  }
0xba: {  	s3 =	sand.u32 $0x4000, s31;
	s1 =	sadd.s32 s1, s30  }
0xbb: {  	s0 =	sor.u32 s3, s0;
	s1 =	sshll.u32 s1, $0x11  }
0xbc: {  	s0 =	sor.u32 s1, s0  }
0xbd: {  	s0 =	sadd.s32 $0x8F2B, s0  }
0xbe: {  	[sflag:s0] =	ssyncadd.remote.s32 $0x1  }
0xbf: {  	_ =	sfence.sel $0xFFFF  }
0xc0: {  	[dreg:$0x0] =	wrdreg $0xFFFFFFFF;
	(pc) =	sbr.abs _section_cstart, $3  }
0xc1: {  	[dreg:$0x1] =	wrdreg $0xFFFFFFFF  }
0xc2: {  	_ =	task.clear_ibuf [dreg:s7], $0x2FFFF;
	_ =	strace $0x9FFFFFFF  }
0xc3: {  	(tm) =	ssettm $0x7FFFFFFF  }
tec
execute0_lowered:
.L_overlay_start_1:
0x0: {  	(tag) =	ssettag $0x1  }
0x1: {  	s1 =	rddreg [dreg:$0x0]  }
0x2: {  	s6 =	rddreg [dreg:$0x1]  }
0x3: {  	s0 =	srdreg.scid;
	s3 =	rddreg [dreg:$0x2]  }
0x4: {  	s2 =	rddreg [dreg:$0x3];
	s4 =	simm.s32 $0x0;
	s7 =	sand.u32 $0x1, s0  }
0x5: {  	s12 =	simm.s32 $0x2;
	s0 =	stileid.u32;
	s5 =	smul.u32 $0x186A00, s7  }
0x6: {  	s13 =	simm.s32 $0x3E8;
	s14 =	simm.s32 $0x7D0;
	s8 =	smul.u32 $0x186A0, s0  }
0x7: {  	s15 =	simm.s32 $0x1;
	s18 =	simm.s32 $0x0;
	s9 =	smul.u32 $0x1870, s0  }
0x8: {  	[smem:$0x7FF] =	sst s4;
	s16 =	sadd.s32 $0x16E900, s3;
	s28 =	smul.u32 $0x186A0, s7  }
0x9: {  	_ =	strace $0x80000047;
	s29 =	smul.u32 $0x61C00, s0;
	s7 =	ssub.s32 $0x2, s7  }
0xa: {  	s31 =	sshll.u32 s0, $0x6;
	p0 =	seq.s32 s0, $0xF;
	s30 =	sshrl.u32 s7, $0x1  }
0xb: {  	s16 =	sshrl.u32 @p0 s16, $0x3;
	s5 =	sadd.s32 s8, s5;
	s8 =	sadd.s32 s9, s28  }
0xc: {  	s9 =	sshrl.u32 s29, $0x2;
	s11 =	ssub.s32 s7, s30;
	s5 =	sshrl.u32 s5, $0x3  }
0xd: {  	s8 =	sshll.u32 s8, $0x1;
	s17 =	sadd.s32 s9, s3;
	s10 =	sadd.s32 s5, s6  }
0xe: {  	s5 =	sadd.s32 $0xC4C00, s6;
	s8 =	sadd.s32 s8, s6;
	s6 =	sor.u32 $0x1C02, s31  }
0xf: {  	s7 =	sadd.s32 $0xC7E00, s8;
	s8 =	smax.u32 s11, $0x1;
	s9 =	sadd.s32 $0x1400, s10  }
0x10: {  	s10 =	sadd.s32 $0x63000, s10;
	s11 =	sshrl.u32 s17, $0x3;
	s17 =	sshrl.u32 @!p0 s17, $0x3  }
.LBB2_1:
0x11: {  	[spmem:s11], [sflag:s6] =	dma.local [hbm:s5], $0x30E0  }
0x12: {  	_ =	swait.ge [sflag:s12], $0x30E0  }
0x13: {  	[sflag:s12] =	ssyncset.done $0x0  }
0x14: {  	[sflag:s12] =	ssyncadd.s32 $0xFFFFCF20  }
0x15: {  	s19 =	sadd.s32 $0x0, s10;
	[bflag:$0x0] =	sbarrier.arrive $0xFFFF  }
0x16: {  	[tilespmem:s4], [sflag:$0x2] =	stream.linear.gather [hbm4b:s19+s4], $0x3E8, $0x38;
	[tilespmem:$0x1CD50] =	vst v63  }
0x17: {  	_ =	swait.ge [sflag:s12], $0x3E8  }
0x18: {  	[sflag:s12] =	ssyncset.done $0x0  }
0x19: {  	s31 =	sadd.s32 $0x0, s9;
	[sflag:s12] =	ssyncadd.s32 $0xFFFFFC18  }
0x1a: {  	[tilespmem:s13], [sflag:$0x2] =	stream.linear.gather [hbm4b:s31+s4], $0x3E8, $0x38;
	[tilespmem:$0x1CD50] =	vst v63  }
0x1b: {  	_ =	swait.ge [sflag:s12], $0x3E8  }
0x1c: {  	[sflag:s12] =	ssyncset.done $0x0  }
0x1d: {  	[sflag:s12] =	ssyncadd.s32 $0xFFFFFC18  }
0x1e: {  	[tilespmem:s14], [sflag:$0x1] =	stream.indirect.gather [hbm4b:s1+s13], $0x10, s4, s13, $0xb8;
	[tilespmem:$0x1CD50] =	vst v63  }
0x1f: {  	_ =	swait.ge [sflag:s15], $0x3E80  }
0x20: {  	[sflag:s15] =	ssyncset.done $0x0  }
0x21: {  	[sflag:s15] =	ssyncadd.s32 $0xFFFFC180  }
0x22: {  	[spmem:s3] =	stream.indirect.scatter.add.f32 [tilespmem:s14], [sflag:$0x2], $0x10, s13, s13, $0xb8;
	[tilespmem:$0x1CD50] =	vst v63  }
0x23: {  	_ =	swait.ge [sflag:s12], $0x3E80  }
0x24: {  	s20 =	simm.s32 $0xFA;
	s19 =	simm.s32 $0x7D;
	[sflag:s12] =	ssyncset.done $0x0  }
.LBB2_2:
0x25: {  	s21 =	sadd.s32 s19, s10  }
0x26: {  	[sflag:s12] =	ssyncadd.s32 $0xFFFFC180;
	s22 =	smov.u32 s20;
	s23 =	sadd.s32 $0x7D, s20  }
0x27: {  	[tilespmem:s4], [sflag:$0x2] =	stream.linear.gather [hbm4b:s21+s4], $0x3E8, $0x38;
	[tilespmem:$0x1CD50] =	vst v63  }
0x28: {  	p1 =	sne.s32 s20, $0x3057;
	_ =	swait.ge [sflag:s12], $0x3E8  }
0x29: {  	[sflag:s12] =	ssyncset.done $0x0  }
0x2a: {  	s20 =	sadd.s32 s19, s9;
	s19 =	smov.u32 s22;
	[sflag:s12] =	ssyncadd.s32 $0xFFFFFC18  }
0x2b: {  	[tilespmem:s13], [sflag:$0x2] =	stream.linear.gather [hbm4b:s20+s4], $0x3E8, $0x38;
	[tilespmem:$0x1CD50] =	vst v63  }
0x2c: {  	_ =	swait.ge [sflag:s12], $0x3E8  }
0x2d: {  	[sflag:s12] =	ssyncset.done $0x0  }
0x2e: {  	[sflag:s12] =	ssyncadd.s32 $0xFFFFFC18  }
0x2f: {  	[tilespmem:s14], [sflag:$0x1] =	stream.indirect.gather [hbm4b:s1+s13], $0x10, s4, s13, $0xb8;
	[tilespmem:$0x1CD50] =	vst v63  }
0x30: {  	_ =	swait.ge [sflag:s15], $0x3E80  }
.Ltmp0:
0x31: {  	[sflag:s15] =	ssyncset.done $0x0;
	(pc) =	sbr.rel @p1 .LBB2_2-.Ltmp0, $4  }
0x32: {  	[sflag:s15] =	ssyncadd.s32 $0xFFFFC180  }
0x33: {  	[spmem:s3] =	stream.indirect.scatter.add.f32 [tilespmem:s14], [sflag:$0x2], $0x10, s13, s13, $0xb8;
	[tilespmem:$0x1CD50] =	vst v63  }
0x34: {  	_ =	swait.ge [sflag:s12], $0x3E80  }
0x35: {  	s20 =	smov.u32 s23;
	[sflag:s12] =	ssyncset.done $0x0  }
0x36: {  	s20 =	sadd.s32 s19, s10;
	[sflag:s12] =	ssyncadd.s32 $0xFFFFC180  }
0x37: {  	[tilespmem:s4], [sflag:$0x2] =	stream.linear.gather [hbm4b:s20+s4], $0x3E8, $0x38;
	[tilespmem:$0x1CD50] =	vst v63  }
0x38: {  	_ =	swait.ge [sflag:s12], $0x3E8  }
0x39: {  	[sflag:s12] =	ssyncset.done $0x0  }
0x3a: {  	s31 =	sadd.s32 s19, s9;
	[sflag:s12] =	ssyncadd.s32 $0xFFFFFC18  }
0x3b: {  	[tilespmem:s13], [sflag:$0x2] =	stream.linear.gather [hbm4b:s31+s4], $0x3E8, $0x38;
	[tilespmem:$0x1CD50] =	vst v63  }
0x3c: {  	_ =	swait.ge [sflag:s12], $0x3E8  }
0x3d: {  	[sflag:s12] =	ssyncset.done $0x0  }
0x3e: {  	[sflag:s12] =	ssyncadd.s32 $0xFFFFFC18  }
0x3f: {  	[tilespmem:s14], [sflag:$0x1] =	stream.indirect.gather [hbm4b:s1+s13], $0x10, s4, s13, $0xb8;
	[tilespmem:$0x1CD50] =	vst v63  }
0x40: {  	_ =	swait.ge [sflag:s15], $0x3E80  }
0x41: {  	[sflag:s15] =	ssyncset.done $0x0  }
0x42: {  	[sflag:s15] =	ssyncadd.s32 $0xFFFFC180  }
0x43: {  	[spmem:s3] =	stream.indirect.scatter.add.f32 [tilespmem:s14], [sflag:$0x2], $0x10, s13, s13, $0xb8;
	[tilespmem:$0x1CD50] =	vst v63  }
0x44: {  	_ =	swait.ge [sflag:s12], $0x3E80  }
0x45: {  	[sflag:s12] =	ssyncset.done $0x0  }
0x46: {  	[sflag:s12] =	ssyncadd.s32 $0xFFFFC180  }
0x47: {  	s19 =	simm.s32 @p0 $0x2;
	[bflag:$0x0] =	sbarrier.arrive $0xFFFF  }
0x48: {  	[hbm:s7], [sflag:s6] =	dma.local @p0 [spmem:s16], $0x3020  }
0x49: {  	s18 =	sadd.s32 $0x1, s18;
	_ =	swait.ge @p0 [sflag:s19], $0x3020  }
0x4a: {  	p1 =	sne.s32 s18, s8;
	[sflag:s19] =	ssyncset.done @p0 $0x0  }
.Ltmp1:
0x4b: {  	[sflag:s19] =	ssyncadd.s32 @p0 $0xFFFFCFE0;
	s19 =	simm.s32 @!p0 $0x2;
	(pc) =	sbr.rel @p1 .LBB2_1-.Ltmp1, $4  }
0x4c: {  	[hbm:s7], [sflag:s6] =	dma.local @!p0 [spmem:s17], $0x30E0  }
0x4d: {  	_ =	swait.ge @!p0 [sflag:s19], $0x30E0  }
0x4e: {  	[sflag:s19] =	ssyncset.done @!p0 $0x0  }
0x4f: {  	[sflag:s19] =	ssyncadd.s32 @!p0 $0xFFFFCF20  }
0x50: {  	_ =	sfence.sel $0x180000  }
0x51: {  	[bflag:$0x0] =	sbarrier.arrive $0xFFFF  }
0x52: {  	p0 =	sne.s32 s0, $0x0;
	_ =	strace $0x90000047  }
0x53: {  	s0 =	sadd.s32 @!p0 $0x100000, s2;
	[bflag:$0x2] =	sbarrier.arrive $0xFFFF  }
0x54: {  	[sflag:s0] =	ssyncadd.tile.s32 @!p0 $0x1;
	_ =	shalt  }
.Lfunc_end2:
_tile_overlayer_lowered:
.L_overlay_start_2:
0x55: {  	(tag) =	ssettag $0x2  }
0x56: {  	s0 =	rddreg [dreg:$0x0];
	s2 =	stileid.u32  }
0x57: {  	s1 =	rddreg [dreg:$0x1];
	p0 =	sne.s32 s2, $0x0  }
0x58: {  	s3 =	rddreg [dreg:$0x2];
	[bflag:$0x3] =	sbarrier.arrive $0xFFFF;
	s2 =	simm.s32 @!p0 $0x1C02  }
0x59: {  	[timem:s3], [sflag:s2] =	dma.local @!p0 [hbm:s0], s1  }
0x5a: {  	s0 =	simm.s32 @!p0 $0x2  }
0x5b: {  	_ =	swait.ge @!p0 [sflag:s0], s1  }
0x5c: {  	s1 =	ssub.s32 @!p0 $0x0, s1;
	[sflag:s0] =	ssyncset.done @!p0 $0x0  }
0x5d: {  	[sflag:s0] =	ssyncadd.s32 @!p0 s1  }
0x5e: {  	[bflag:$0x3] =	sbarrier.arrive $0xFFFF  }
0x5f: {  	_ =	shalt  }

// kernel: kernel.9.cloned.1.call-start
scs
__scs_entry_jumppad:
0x0: {  	(pc) =	sbr.rel $0x88, $3  }
0x1: {  	(tag) =	ssettag $0x0;
	lr =	simm.s32 $0x1  }
0x2: {  	[smem:$0x3F9B] =	sst lr;
	_ =	strace $0xD0000000  }
0x3: {  	_ = 	snop  }
0x4: {  	_ = 	snop  }
0x5: {  	_ = 	snop  }
0x6: {  	_ = 	snop  }
0x7: {  	_ = 	snop  }
__scs_overlays_trampoline_lowered:
0x8: {  	[smem:$0x3FAA] =	sst s0  }
0x9: {  	[smem:$0x3FAB] =	sst s1  }
0xa: {  	[smem:$0x3FAC] =	sst s2  }
0xb: {  	[smem:$0x3FAD] =	sst s3  }
0xc: {  	[smem:$0x3FAE] =	sst s4  }
0xd: {  	[smem:$0x3FAF] =	sst s5  }
0xe: {  	[smem:$0x3FB0] =	sst s6  }
0xf: {  	[smem:$0x3FB1] =	sst s7  }
0x10: {  	[smem:$0x3FB2] =	sst s8  }
0x11: {  	[smem:$0x3FB3] =	sst s9;
	s0 =	simm.s32 @!p0 $0x0  }
0x12: {  	s1 =	sld [smem:$0x3F99];
	s0 =	simm.s32 @p0 $0x1  }
0x13: {  	[smem:$0x3FB4] =	sst s0;
	s0 =	simm.s32 @!p1 $0x0  }
0x14: {  	s2 =	sld [smem:$0x3F98];
	s0 =	simm.s32 @p1 $0x1  }
0x15: {  	[smem:$0x3FB5] =	sst s0;
	s0 =	simm.s32 @!p2 $0x0  }
0x16: {  	s3 =	sld [smem:$0x3FDB];
	s0 =	simm.s32 @p2 $0x1  }
0x17: {  	s4 =	simm.s32 $0x1BF5;
	[smem:$0x3FB7] =	sst s0  }
0x18: {  	s0 =	sld [smem:$0x3F9A];
	_ =	swait.ge [sflag:s4], $0x0  }
0x19: {  	s7 =	sld [smem:$0x3F9B]  }
0x1a: {  	s8 =	sadd.s32 $0xFFFFE003, lr  }
0x1b: {  	s9 =	sadd.s32 $0xFFFFFEF7, lr;
	s5 =	simm.s32 $0xFFFFFFFF;
	p2 =	slt.u32 s8, $0xFFFFF086  }
0x1c: {  	p1 =	slt.u32 s9, $0xF7A;
	s5 =	simm.s32 @!p2 $0x0  }
0x1d: {  	s5 =	simm.s32 @p1 $0x1;
	p0 =	seq.s32 s7, s2  }
0x1e: {  	s7 =	smul.u32 @!p0 $0xF7A, s2;
	p2 =	seq.s32 @!p0 s5, $0x0  }
0x1f: {  	s9 =	smul.u32 $0xF7A, s1;
	s8 =	simm.s32 @!p0 $0x1BF5;
	p2 =	por !p2, p0  }
0x20: {  	[sflag:s8] =	ssyncset.s32 @!p0 $0xFFFFF086;
	s6 =	sadd.s32 @!p0 s3, s7;
	s7 =	simm.s32 @!p0 $0x108  }
0x21: {  	s3 =	sadd.s32 s3, s9;
	s6 =	sadd.s32 @!p0 $0x88, s6;
	s7 =	simm.s32 @p2 $0x1082  }
0x22: {  	[simem:s7], [sflag:s8] =	dma.local @!p0 [hbm:s6], $0xF7A  }
0x23: {  	s9 =	sor.u32 $0xD0000000, s2;
	s6 =	simm.s32 $0x108;
	_ =	swait.ge @!p0 [sflag:s8], $0x0  }
0x24: {  	s3 =	sadd.s32 $0x88, s3;
	s6 =	simm.s32 @!p1 $0x1082;
	[sflag:s4] =	ssyncset.s32 $0xFFFFF086  }
0x25: {  	[simem:s6], [sflag:s4] =	dma.local [hbm:s3], $0xF7A  }
0x26: {  	[smem:$0x3F9B] =	sst s1;
	(tag) =	ssettag s2;
	_ =	strace s9  }
0x27: {  	s1 =	sld [smem:$0x3FAB]  }
0x28: {  	s2 =	sld [smem:$0x3FAC]  }
0x29: {  	s4 =	sld [smem:$0x3FAE]  }
0x2a: {  	p0 =	seq.s32 s5, $0x0;
	s5 =	sld [smem:$0x3FAF]  }
0x2b: {  	s6 =	sld [smem:$0x3FB0]  }
0x2c: {  	s7 =	sld [smem:$0x3FB1]  }
0x2d: {  	s3 =	simm.s32 $0x108;
	s8 =	sld [smem:$0x3FB2]  }
0x2e: {  	s3 =	simm.s32 @!p0 $0x1082;
	s9 =	sld [smem:$0x3FB3]  }
0x2f: {  	lr =	sadd.s32 s0, s3;
	s0 =	sld [smem:$0x3FAA]  }
0x30: {  	s3 =	sld [smem:$0x3FAD]  }
0x31: {  	[smem:$0x3FB6] =	sst s10  }
0x32: {  	s10 =	sld [smem:$0x3FB4];
	_ =	sdelay $0x3  }
0x33: {  	p0 =	seq.s32 s10, $0x1;
	s10 =	sld [smem:$0x3FB6];
	_ =	sdelay $0x3  }
0x34: {  	[smem:$0x3FB6] =	sst s10  }
0x35: {  	s10 =	sld [smem:$0x3FB5];
	_ =	sdelay $0x3  }
0x36: {  	p1 =	seq.s32 s10, $0x1;
	s10 =	sld [smem:$0x3FB6];
	_ =	sdelay $0x3  }
0x37: {  	[smem:$0x3FB6] =	sst s10  }
0x38: {  	s10 =	sld [smem:$0x3FB7]  }
0x39: {  	_ = 	snop;
	(pc) =	sbr.ind lr, $3  }
0x3a: {  	_ = 	snop  }
0x3b: {  	_ = 	snop  }
0x3c: {  	p2 =	seq.s32 s10, $0x1;
	s10 =	sld [smem:$0x3FB6]  }
0x3d: {  	_ =	shalt  }
0x3e: {  	_ =	shalt  }
0x3f: {  	_ =	shalt  }
0x40: {  	_ =	shalt  }
0x41: {  	_ =	shalt  }
0x42: {  	_ =	shalt  }
0x43: {  	_ =	shalt  }
0x44: {  	_ =	shalt  }
0x45: {  	_ =	shalt  }
0x46: {  	_ =	shalt  }
0x47: {  	_ =	shalt  }
0x48: {  	_ =	shalt  }
0x49: {  	_ =	shalt  }
0x4a: {  	_ =	shalt  }
0x4b: {  	_ =	shalt  }
0x4c: {  	_ =	shalt  }
0x4d: {  	_ =	shalt  }
0x4e: {  	_ =	shalt  }
0x4f: {  	_ =	shalt  }
0x50: {  	_ =	shalt  }
0x51: {  	_ =	shalt  }
0x52: {  	_ =	shalt  }
0x53: {  	_ =	shalt  }
0x54: {  	_ =	shalt  }
0x55: {  	_ =	shalt  }
0x56: {  	_ =	shalt  }
0x57: {  	_ =	shalt  }
0x58: {  	_ =	shalt  }
0x59: {  	_ =	shalt  }
0x5a: {  	_ =	shalt  }
0x5b: {  	_ =	shalt  }
0x5c: {  	_ =	shalt  }
0x5d: {  	_ =	shalt  }
0x5e: {  	_ =	shalt  }
0x5f: {  	_ =	shalt  }
0x60: {  	_ =	shalt  }
0x61: {  	_ =	shalt  }
0x62: {  	_ =	shalt  }
0x63: {  	_ =	shalt  }
0x64: {  	_ =	shalt  }
0x65: {  	_ =	shalt  }
0x66: {  	_ =	shalt  }
0x67: {  	_ =	shalt  }
0x68: {  	_ =	shalt  }
0x69: {  	_ =	shalt  }
0x6a: {  	_ =	shalt  }
0x6b: {  	_ =	shalt  }
0x6c: {  	_ =	shalt  }
0x6d: {  	_ =	shalt  }
0x6e: {  	_ =	shalt  }
0x6f: {  	_ =	shalt  }
0x70: {  	_ =	shalt  }
0x71: {  	_ =	shalt  }
0x72: {  	_ =	shalt  }
0x73: {  	_ =	shalt  }
0x74: {  	_ =	shalt  }
0x75: {  	_ =	shalt  }
0x76: {  	_ =	shalt  }
0x77: {  	_ =	shalt  }
0x78: {  	_ =	shalt  }
0x79: {  	_ =	shalt  }
0x7a: {  	_ =	shalt  }
0x7b: {  	_ =	shalt  }
0x7c: {  	_ =	shalt  }
0x7d: {  	_ =	shalt  }
0x7e: {  	_ =	shalt  }
0x7f: {  	_ =	shalt  }
0x80: {  	_ =	shalt  }
0x81: {  	_ =	shalt  }
0x82: {  	_ =	shalt  }
0x83: {  	_ =	shalt  }
0x84: {  	_ =	shalt  }
0x85: {  	_ =	shalt  }
0x86: {  	_ =	shalt  }
0x87: {  	_ =	shalt  }
.Lfunc_end0:
.L_simem_size_0:
called_computation.1_lowered:
.L_overlay_start_0:
0x88: {  	s2 =	sld [smem:$0x3FD9]  }
0x89: {  	s3 =	sld [smem:$0x3FFE];
	_ =	sdelay $0x1  }
0x8a: {  	s1 =	srdreg.scid  }
0x8b: {  	s0 =	sand.u32 $0x1, s1  }
0x8c: {  	s17 =	sshll.u32 s0, $0xA;
	s2 =	sadd.s32 s3, s2  }
0x8d: {  	s2 =	sadd.s32 s2, s17  }
0x8e: {  	[smem:$0x3FC2] =	sst s2  }
0x8f: {  	_ = 	snop  }
0x90: {  	s2 =	sld [smem:$0x3FD0];
	(tm) =	ssettm $0x1  }
0x91: {  	s18 =	sld [smem:$0x3FFB];
	_ =	sdelay $0x3  }
0x92: {  	_ =	strace s18  }
0x93: {  	s3 =	sld [smem:$0x3FFC];
	_ =	sdelay $0x3  }
0x94: {  	_ =	strace s3  }
0x95: {  	s3 =	sld [smem:$0x3FFD];
	_ =	sdelay $0x3  }
0x96: {  	_ =	strace s3  }
0x97: {  	_ =	strace $0x8FFFFFFF  }
0x98: {  	s19 =	sld [smem:$0x3FDB];
	_ =	sdelay $0x1  }
0x99: {  	s4 =	simm.s32 $_scs_section_size  }
0x9a: {  	s5 =	simm.s32 $_size__tile_overlayer_lowered;
	s6 =	simm.s32 $_tile_overlayer_lowered  }
0x9b: {  	s22 =	simm.s32 $0x1BFF;
	s21 =	sshll.u32 s6, $0x1;
	s3 =	sadd.s32 s4, s19  }
0x9c: {  	s7 =	simm.s32 $0x0;
	s20 =	sshll.u32 s5, $0x1;
	s5 =	sadd.s32 s21, s3  }
0x9d: {  	[timem:s7], [sflag:s22] =	dma.local [hbm:s5], s20  }
0x9e: {  	_ =	swait.ge [sflag:s22], s20  }
0x9f: {  	s4 =	ssub.s32 $0x0, s20;
	[sflag:s22] =	ssyncset.done $0x0  }
0xa0: {  	[sflag:s22] =	ssyncadd.s32 s4;
	_ =	sdelay $0x1  }
0xa1: {  	s23 =	simm.s32 $0x1B8B  }
0xa2: {  	_ =	swait.ge [sflag:s23], $0x1  }
0xa3: {  	[sflag:s23] =	ssyncset.done $0x0  }
0xa4: {  	s25 =	simm.s32 $0x1B8E;
	s24 =	sld [smem:$0x3FFE];
	[sflag:s23] =	ssyncadd.s32 $0xFFFFFFFF  }
0xa5: {  	s26 =	simm.s32 $execute0_lowered;
	[smem:$0x3FD2] =	sst s25  }
0xa6: {  	s5 =	sshll.u32 s26, $0x1;
	_ =	strace $0x80000049;
	[dreg:$0x1] =	wrdreg $0xFFFFFFFF  }
0xa7: {  	s28 =	simm.s32 $_size_execute0_lowered;
	s3 =	sadd.s32 s3, s5;
	[dreg:$0x0] =	wrdreg $0x0  }
0xa8: {  	s5 =	sshll.u32 s28, $0x1;
	[dreg:$0x2] =	wrdreg s3  }
0xa9: {  	[dreg:$0x3] =	wrdreg s5  }
0xaa: {  	[dreg:$0x4] =	wrdreg $0xC0  }
0xab: {  	_ =	task [dreg:s7], $0x5FFFF  }
0xac: {  	[dreg:$0x1] =	wrdreg $0xFFFFFFFF  }
0xad: {  	[dreg:$0x0] =	wrdreg $0x60  }
0xae: {  	[dreg:$0x2] =	wrdreg s2  }
0xaf: {  	[dreg:$0x3] =	wrdreg s24  }
0xb0: {  	[dreg:$0x4] =	wrdreg $0x46500  }
0xb1: {  	[dreg:$0x5] =	wrdreg $0x9  }
0xb2: {  	_ =	task.clear_ibuf [dreg:s7], $0x6FFFF;
	_ =	strace $0x90000049  }
0xb3: {  	s29 =	simm.s32 $0x9;
	_ =	strace $0x8000004B  }
0xb4: {  	_ =	swait.ge [sflag:s29], $0x1  }
0xb5: {  	[sflag:s29] =	ssyncadd.s32 $0xFFFFFFFF  }
0xb6: {  	_ =	strace $0x9000004B  }
0xb7: {  	_ =	sfence  }
0xb8: {  	s30 =	sld [smem:$0x0];
	_ =	sdelay $0x2  }
0xb9: {  	s31 =	sshll.u32 s1, $0xD;
	s1 =	sshrl.u32 s1, $0x2  }
0xba: {  	s3 =	sand.u32 $0x4000, s31;
	s1 =	sadd.s32 s1, s30  }
0xbb: {  	s0 =	sor.u32 s3, s0;
	s1 =	sshll.u32 s1, $0x11  }
0xbc: {  	s0 =	sor.u32 s1, s0  }
0xbd: {  	s0 =	sadd.s32 $0x8F2B, s0  }
0xbe: {  	[sflag:s0] =	ssyncadd.remote.s32 $0x1  }
0xbf: {  	_ =	sfence.sel $0xFFFF  }
0xc0: {  	[dreg:$0x0] =	wrdreg $0xFFFFFFFF;
	(pc) =	sbr.abs _section_cstart, $3  }
0xc1: {  	[dreg:$0x1] =	wrdreg $0xFFFFFFFF  }
0xc2: {  	_ =	task.clear_ibuf [dreg:s7], $0x2FFFF;
	_ =	strace $0x9FFFFFFF  }
0xc3: {  	(tm) =	ssettm $0x7FFFFFFF  }
tec
execute0_lowered:
.L_overlay_start_1:
0x0: {  	(tag) =	ssettag $0x1  }
0x1: {  	s1 =	rddreg [dreg:$0x0]  }
0x2: {  	s6 =	rddreg [dreg:$0x1]  }
0x3: {  	s0 =	srdreg.scid;
	s3 =	rddreg [dreg:$0x2]  }
0x4: {  	s2 =	rddreg [dreg:$0x3];
	s4 =	simm.s32 $0x0;
	s7 =	sand.u32 $0x1, s0  }
0x5: {  	s12 =	simm.s32 $0x2;
	s0 =	stileid.u32;
	s5 =	smul.u32 $0x186A00, s7  }
0x6: {  	s13 =	simm.s32 $0x3E8;
	s14 =	simm.s32 $0x7D0;
	s8 =	smul.u32 $0x186A0, s0  }
0x7: {  	s15 =	simm.s32 $0x1;
	s18 =	simm.s32 $0x0;
	s9 =	smul.u32 $0x1870, s0  }
0x8: {  	[smem:$0x7FF] =	sst s4;
	s16 =	sadd.s32 $0x16E900, s3;
	s28 =	smul.u32 $0x186A0, s7  }
0x9: {  	_ =	strace $0x8000004A;
	s29 =	smul.u32 $0x61C00, s0;
	s7 =	ssub.s32 $0x2, s7  }
0xa: {  	s31 =	sshll.u32 s0, $0x6;
	p0 =	seq.s32 s0, $0xF;
	s30 =	sshrl.u32 s7, $0x1  }
0xb: {  	s16 =	sshrl.u32 @p0 s16, $0x3;
	s5 =	sadd.s32 s8, s5;
	s8 =	sadd.s32 s9, s28  }
0xc: {  	s9 =	sshrl.u32 s29, $0x2;
	s11 =	ssub.s32 s7, s30;
	s5 =	sshrl.u32 s5, $0x3  }
0xd: {  	s8 =	sshll.u32 s8, $0x1;
	s17 =	sadd.s32 s9, s3;
	s10 =	sadd.s32 s5, s6  }
0xe: {  	s5 =	sadd.s32 $0xC4C00, s6;
	s8 =	sadd.s32 s8, s6;
	s6 =	sor.u32 $0x1C02, s31  }
0xf: {  	s7 =	sadd.s32 $0xC7E00, s8;
	s8 =	smax.u32 s11, $0x1;
	s9 =	sadd.s32 $0x1400, s10  }
0x10: {  	s10 =	sadd.s32 $0x63000, s10;
	s11 =	sshrl.u32 s17, $0x3;
	s17 =	sshrl.u32 @!p0 s17, $0x3  }
.LBB2_1:
0x11: {  	[spmem:s11], [sflag:s6] =	dma.local [hbm:s5], $0x30E0  }
0x12: {  	_ =	swait.ge [sflag:s12], $0x30E0  }
0x13: {  	[sflag:s12] =	ssyncset.done $0x0  }
0x14: {  	[sflag:s12] =	ssyncadd.s32 $0xFFFFCF20  }
0x15: {  	s19 =	sadd.s32 $0x0, s10;
	[bflag:$0x0] =	sbarrier.arrive $0xFFFF  }
0x16: {  	[tilespmem:s4], [sflag:$0x2] =	stream.linear.gather [hbm4b:s19+s4], $0x3E8, $0x38;
	[tilespmem:$0x1CD50] =	vst v63  }
0x17: {  	_ =	swait.ge [sflag:s12], $0x3E8  }
0x18: {  	[sflag:s12] =	ssyncset.done $0x0  }
0x19: {  	s31 =	sadd.s32 $0x0, s9;
	[sflag:s12] =	ssyncadd.s32 $0xFFFFFC18  }
0x1a: {  	[tilespmem:s13], [sflag:$0x2] =	stream.linear.gather [hbm4b:s31+s4], $0x3E8, $0x38;
	[tilespmem:$0x1CD50] =	vst v63  }
0x1b: {  	_ =	swait.ge [sflag:s12], $0x3E8  }
0x1c: {  	[sflag:s12] =	ssyncset.done $0x0  }
0x1d: {  	[sflag:s12] =	ssyncadd.s32 $0xFFFFFC18  }
0x1e: {  	[tilespmem:s14], [sflag:$0x1] =	stream.indirect.gather [hbm4b:s1+s13], $0x10, s4, s13, $0xb8;
	[tilespmem:$0x1CD50] =	vst v63  }
0x1f: {  	_ =	swait.ge [sflag:s15], $0x3E80  }
0x20: {  	[sflag:s15] =	ssyncset.done $0x0  }
0x21: {  	[sflag:s15] =	ssyncadd.s32 $0xFFFFC180  }
0x22: {  	[spmem:s3] =	stream.indirect.scatter.add.f32 [tilespmem:s14], [sflag:$0x2], $0x10, s13, s13, $0xb8;
	[tilespmem:$0x1CD50] =	vst v63  }
0x23: {  	_ =	swait.ge [sflag:s12], $0x3E80  }
0x24: {  	s20 =	simm.s32 $0xFA;
	s19 =	simm.s32 $0x7D;
	[sflag:s12] =	ssyncset.done $0x0  }
.LBB2_2:
0x25: {  	s21 =	sadd.s32 s19, s10  }
0x26: {  	[sflag:s12] =	ssyncadd.s32 $0xFFFFC180;
	s22 =	smov.u32 s20;
	s23 =	sadd.s32 $0x7D, s20  }
0x27: {  	[tilespmem:s4], [sflag:$0x2] =	stream.linear.gather [hbm4b:s21+s4], $0x3E8, $0x38;
	[tilespmem:$0x1CD50] =	vst v63  }
0x28: {  	p1 =	sne.s32 s20, $0x3057;
	_ =	swait.ge [sflag:s12], $0x3E8  }
0x29: {  	[sflag:s12] =	ssyncset.done $0x0  }
0x2a: {  	s20 =	sadd.s32 s19, s9;
	s19 =	smov.u32 s22;
	[sflag:s12] =	ssyncadd.s32 $0xFFFFFC18  }
0x2b: {  	[tilespmem:s13], [sflag:$0x2] =	stream.linear.gather [hbm4b:s20+s4], $0x3E8, $0x38;
	[tilespmem:$0x1CD50] =	vst v63  }
0x2c: {  	_ =	swait.ge [sflag:s12], $0x3E8  }
0x2d: {  	[sflag:s12] =	ssyncset.done $0x0  }
0x2e: {  	[sflag:s12] =	ssyncadd.s32 $0xFFFFFC18  }
0x2f: {  	[tilespmem:s14], [sflag:$0x1] =	stream.indirect.gather [hbm4b:s1+s13], $0x10, s4, s13, $0xb8;
	[tilespmem:$0x1CD50] =	vst v63  }
0x30: {  	_ =	swait.ge [sflag:s15], $0x3E80  }
.Ltmp0:
0x31: {  	[sflag:s15] =	ssyncset.done $0x0;
	(pc) =	sbr.rel @p1 .LBB2_2-.Ltmp0, $4  }
0x32: {  	[sflag:s15] =	ssyncadd.s32 $0xFFFFC180  }
0x33: {  	[spmem:s3] =	stream.indirect.scatter.add.f32 [tilespmem:s14], [sflag:$0x2], $0x10, s13, s13, $0xb8;
	[tilespmem:$0x1CD50] =	vst v63  }
0x34: {  	_ =	swait.ge [sflag:s12], $0x3E80  }
0x35: {  	s20 =	smov.u32 s23;
	[sflag:s12] =	ssyncset.done $0x0  }
0x36: {  	s20 =	sadd.s32 s19, s10;
	[sflag:s12] =	ssyncadd.s32 $0xFFFFC180  }
0x37: {  	[tilespmem:s4], [sflag:$0x2] =	stream.linear.gather [hbm4b:s20+s4], $0x3E8, $0x38;
	[tilespmem:$0x1CD50] =	vst v63  }
0x38: {  	_ =	swait.ge [sflag:s12], $0x3E8  }
0x39: {  	[sflag:s12] =	ssyncset.done $0x0  }
0x3a: {  	s31 =	sadd.s32 s19, s9;
	[sflag:s12] =	ssyncadd.s32 $0xFFFFFC18  }
0x3b: {  	[tilespmem:s13], [sflag:$0x2] =	stream.linear.gather [hbm4b:s31+s4], $0x3E8, $0x38;
	[tilespmem:$0x1CD50] =	vst v63  }
0x3c: {  	_ =	swait.ge [sflag:s12], $0x3E8  }
0x3d: {  	[sflag:s12] =	ssyncset.done $0x0  }
0x3e: {  	[sflag:s12] =	ssyncadd.s32 $0xFFFFFC18  }
0x3f: {  	[tilespmem:s14], [sflag:$0x1] =	stream.indirect.gather [hbm4b:s1+s13], $0x10, s4, s13, $0xb8;
	[tilespmem:$0x1CD50] =	vst v63  }
0x40: {  	_ =	swait.ge [sflag:s15], $0x3E80  }
0x41: {  	[sflag:s15] =	ssyncset.done $0x0  }
0x42: {  	[sflag:s15] =	ssyncadd.s32 $0xFFFFC180  }
0x43: {  	[spmem:s3] =	stream.indirect.scatter.add.f32 [tilespmem:s14], [sflag:$0x2], $0x10, s13, s13, $0xb8;
	[tilespmem:$0x1CD50] =	vst v63  }
0x44: {  	_ =	swait.ge [sflag:s12], $0x3E80  }
0x45: {  	[sflag:s12] =	ssyncset.done $0x0  }
0x46: {  	[sflag:s12] =	ssyncadd.s32 $0xFFFFC180  }
0x47: {  	s19 =	simm.s32 @p0 $0x2;
	[bflag:$0x0] =	sbarrier.arrive $0xFFFF  }
0x48: {  	[hbm:s7], [sflag:s6] =	dma.local @p0 [spmem:s16], $0x3020  }
0x49: {  	s18 =	sadd.s32 $0x1, s18;
	_ =	swait.ge @p0 [sflag:s19], $0x3020  }
0x4a: {  	p1 =	sne.s32 s18, s8;
	[sflag:s19] =	ssyncset.done @p0 $0x0  }
.Ltmp1:
0x4b: {  	[sflag:s19] =	ssyncadd.s32 @p0 $0xFFFFCFE0;
	s19 =	simm.s32 @!p0 $0x2;
	(pc) =	sbr.rel @p1 .LBB2_1-.Ltmp1, $4  }
0x4c: {  	[hbm:s7], [sflag:s6] =	dma.local @!p0 [spmem:s17], $0x30E0  }
0x4d: {  	_ =	swait.ge @!p0 [sflag:s19], $0x30E0  }
0x4e: {  	[sflag:s19] =	ssyncset.done @!p0 $0x0  }
0x4f: {  	[sflag:s19] =	ssyncadd.s32 @!p0 $0xFFFFCF20  }
0x50: {  	_ =	sfence.sel $0x180000  }
0x51: {  	[bflag:$0x0] =	sbarrier.arrive $0xFFFF  }
0x52: {  	p0 =	sne.s32 s0, $0x0;
	_ =	strace $0x9000004A  }
0x53: {  	s0 =	sadd.s32 @!p0 $0x100000, s2;
	[bflag:$0x2] =	sbarrier.arrive $0xFFFF  }
0x54: {  	[sflag:s0] =	ssyncadd.tile.s32 @!p0 $0x1;
	_ =	shalt  }
.Lfunc_end2:
_tile_overlayer_lowered:
.L_overlay_start_2:
0x55: {  	(tag) =	ssettag $0x2  }
0x56: {  	s0 =	rddreg [dreg:$0x0];
	s2 =	stileid.u32  }
0x57: {  	s1 =	rddreg [dreg:$0x1];
	p0 =	sne.s32 s2, $0x0  }
0x58: {  	s3 =	rddreg [dreg:$0x2];
	[bflag:$0x3] =	sbarrier.arrive $0xFFFF;
	s2 =	simm.s32 @!p0 $0x1C02  }
0x59: {  	[timem:s3], [sflag:s2] =	dma.local @!p0 [hbm:s0], s1  }
0x5a: {  	s0 =	simm.s32 @!p0 $0x2  }
0x5b: {  	_ =	swait.ge @!p0 [sflag:s0], s1  }
0x5c: {  	s1 =	ssub.s32 @!p0 $0x0, s1;
	[sflag:s0] =	ssyncset.done @!p0 $0x0  }
0x5d: {  	[sflag:s0] =	ssyncadd.s32 @!p0 s1  }
0x5e: {  	[bflag:$0x3] =	sbarrier.arrive $0xFFFF  }
0x5f: {  	_ =	shalt  }

</sc_bundles>
